<compile_context>
chip_gen: v7x
topology: tpu7x:2x2x1
jax: 0.10.2.dev20260603
libtpu: 0.0.44.dev20260713+nightly
codegen_flags: <defaults>
</compile_context>

<pallas_src>
import functools

import jax
import jax.numpy as jnp
from jax import lax
from jax.experimental import pallas as pl
from jax.experimental.pallas import tpu as pltpu
from jax.experimental.pallas import tpu_sc as plsc

DIM = 64
NUM_CORES = 2
NUM_SUBCORES = 16
NUM_WORKERS = NUM_CORES * NUM_SUBCORES
PDIM = 128
SUB = 128
GATHERS = 1
CHUNK = SUB * GATHERS
NBUF = 5


@jax.jit
def _embed_sc(xf, tpad):
    B = xf.shape[0]
    b_per_w = B // NUM_WORKERS
    n_chunks = b_per_w // CHUNK
    n_rounds = n_chunks // NBUF
    assert b_per_w % CHUNK == 0 and n_chunks % NBUF == 0

    mesh = plsc.VectorSubcoreMesh(core_axis_name="c", subcore_axis_name="s")

    @functools.partial(
        pl.kernel,
        mesh=mesh,
        compiler_params=pltpu.CompilerParams(use_tc_tiling_on_sc=True),
        out_type=jax.ShapeDtypeStruct((B, PDIM), jnp.float32),
        scratch_types=[
            pltpu.VMEM((b_per_w,), jnp.int32),
            pltpu.VMEM((NBUF, CHUNK, PDIM), jnp.float32),
        ] + [pltpu.SemaphoreType.DMA] * (2 * NBUF),
    )
    def emb(x_hbm, tab_hbm, out_hbm, idx_v, rows_v, *sems):
        sg = list(sems[:NBUF])
        sw = list(sems[NBUF:])
        wid = lax.axis_index("s") * NUM_CORES + lax.axis_index("c")
        base = wid * b_per_w

        pltpu.sync_copy(x_hbm.at[pl.ds(base, b_per_w)], idx_v)

        def fire_gathers(c, b):
            for j in range(GATHERS):
                pltpu.async_copy(
                    tab_hbm.at[idx_v.at[pl.ds(c * CHUNK + j * SUB, SUB)]],
                    rows_v.at[b].at[pl.ds(j * SUB, SUB), :],
                    sg[b],
                )

        def drain_gathers(b):
            pltpu.make_async_copy(
                out_hbm.at[pl.ds(0, CHUNK)], rows_v.at[b], sg[b]
            ).wait()

        def drain_write(b):
            pltpu.make_async_copy(
                out_hbm.at[pl.ds(0, CHUNK)], rows_v.at[b], sw[b]
            ).wait()

        for b in range(NBUF - 1):
            fire_gathers(b, b)

        def round_body(r, carry):
            for b in range(NBUF):
                c = r * NBUF + b
                bf = (b + NBUF - 1) % NBUF
                f = c + NBUF - 1

                @pl.when(c >= 1)
                def _():
                    drain_write(bf)

                @pl.when(f < n_chunks)
                def _():
                    fire_gathers(f, bf)

                drain_gathers(b)
                pltpu.async_copy(
                    rows_v.at[b],
                    out_hbm.at[pl.ds(base + c * CHUNK, CHUNK)],
                    sw[b],
                )
            return carry

        lax.fori_loop(0, n_rounds, round_body, 0)
        drain_write((n_chunks - 1) % NBUF)

    return emb(xf, tpad)


def kernel(x, table):
    xf = x.reshape(-1).astype(jnp.int32)
    tpad = jnp.concatenate(
        [table, jnp.zeros((table.shape[0], PDIM - DIM), jnp.float32)], axis=1)
    out = _embed_sc(xf, tpad)
    return out[:, :DIM].reshape(x.shape + (DIM,))

# --- scband reference (transcript-rebuilt; emitter-appended) ---
"""Pipeline reference for scband-token-embeddings-67525475828057 (READ-ONLY COPY).

The authoritative reference and input builder live on the scoring server;
editing this copy changes nothing except your own understanding.
"""

import jax, jax.numpy as jnp
import numpy as np

VOCAB = 1000000
DIM = 64

def setup_inputs(seed: int = 0) -> dict:
    key = jax.random.key(seed)
    k1, k2 = jax.random.split(key)
    x = jax.random.randint(k1, (4096, 200), 0, VOCAB, dtype=jnp.int64) if jax.config.jax_enable_x64 else jax.random.randint(k1, (4096, 200), 0, VOCAB, dtype=jnp.int32)
    # embedding table parameter (torch nn.Embedding init ~ N(0,1))
    table = jax.random.normal(k2, (VOCAB, DIM), dtype=jnp.float32)
    return {"x": x, "table": table}

def reference(x, table):
    # torch: self.embedding(x) -> table[x]
    return jnp.take(table, x, axis=0)

if __name__ == "__main__":
    import jax
    _d = setup_inputs()
    print(jax.jit(kernel)(*tuple(_d.values())))

</pallas_src>

<mosaic_0001>
#map = affine_map<(d0, d1) -> (0)>
#map1 = affine_map<(d0, d1) -> (0, 0)>
module attributes {stable_mosaic.version = 14 : i64} {
  func.func @emb(%arg0: i32, %arg1: i32, %arg2: memref<819200xi32, #tpu.memory_space<hbm>>, %arg3: memref<1000000x128xf32, #tpu.memory_space<hbm>>, %arg4: memref<819200x128xf32, #tpu.memory_space<hbm>>, %arg5: memref<25600xi32, #tpu.memory_space<vmem>>, %arg6: memref<5x128x128xf32, #tpu.memory_space<vmem>>, %arg7: memref<!tpu.dma_semaphore, #tpu.memory_space<semaphore_mem>>, %arg8: memref<!tpu.dma_semaphore, #tpu.memory_space<semaphore_mem>>, %arg9: memref<!tpu.dma_semaphore, #tpu.memory_space<semaphore_mem>>, %arg10: memref<!tpu.dma_semaphore, #tpu.memory_space<semaphore_mem>>, %arg11: memref<!tpu.dma_semaphore, #tpu.memory_space<semaphore_mem>>, %arg12: memref<!tpu.dma_semaphore, #tpu.memory_space<semaphore_mem>>, %arg13: memref<!tpu.dma_semaphore, #tpu.memory_space<semaphore_mem>>, %arg14: memref<!tpu.dma_semaphore, #tpu.memory_space<semaphore_mem>>, %arg15: memref<!tpu.dma_semaphore, #tpu.memory_space<semaphore_mem>>, %arg16: memref<!tpu.dma_semaphore, #tpu.memory_space<semaphore_mem>>) attributes {dimension_semantics = [#tpu.dimension_semantics<core_parallel>, #tpu.dimension_semantics<subcore_parallel>], iteration_bounds = array<i64: 2, 16>, scalar_prefetch = 0 : i64, scratch_operands = 12 : i64, tpu.core_type = #tpu.core_type<sc_vector_subcore>, window_params = [{transform_indices = #map}, {transform_indices = #map1}, {transform_indices = #map1}]} {
    %mul3A = arith.constant 2 : i32
    %mul3A_0 = arith.muli %arg1, %mul3A : i32
    %add3A = arith.addi %mul3A_0, %arg0 : i32
    %mul3A_1 = arith.constant 25600 : i32
    %mul3A_2 = arith.muli %add3A, %mul3A_1 : i32
    "tpu.region"() ({
      %run_scoped3A = tpu.sem_alloc : memref<!tpu.dma_semaphore, #tpu.memory_space<semaphore_mem>>
      %dma_start3A_73 = tpu.memref_slice %arg2[%mul3A_2] : memref<819200xi32, #tpu.memory_space<hbm>> -> memref<25600xi32, #tpu.memory_space<hbm>>
      %dma_start3A_74 = tpu.memref_slice %arg2[%mul3A_2] : memref<819200xi32, #tpu.memory_space<hbm>> -> memref<25600xi32, #tpu.memory_space<hbm>>
      tpu.enqueue_dma source(%dma_start3A_74 : memref<25600xi32, #tpu.memory_space<hbm>>) target(%arg5 : memref<25600xi32, #tpu.memory_space<vmem>>) target_semaphore(%run_scoped3A : memref<!tpu.dma_semaphore, #tpu.memory_space<semaphore_mem>>)
      %dma_wait3A_75 = tpu.memref_slice %arg2[%mul3A_2] : memref<819200xi32, #tpu.memory_space<hbm>> -> memref<25600xi32, #tpu.memory_space<hbm>>
      %dma_wait3A_76 = tpu.memref_slice %arg2[%mul3A_2] : memref<819200xi32, #tpu.memory_space<hbm>> -> memref<25600xi32, #tpu.memory_space<hbm>>
      tpu.wait_dma2 semaphore(%run_scoped3A : memref<!tpu.dma_semaphore, #tpu.memory_space<semaphore_mem>>) src(%dma_wait3A_76 : memref<25600xi32, #tpu.memory_space<hbm>>) dst(%arg5 : memref<25600xi32, #tpu.memory_space<vmem>>)
      tpu.yield
    }) : () -> ()
    %dma_start3A = arith.constant 0 : i32
    %dma_start3A_3 = arith.constant 0 : i32
    %dma_start3A_4 = arith.constant 0 : i32
    %dma_start3A_5 = tpu.memref_slice %arg6[%dma_start3A, %dma_start3A_3, %dma_start3A_4] : memref<5x128x128xf32, #tpu.memory_space<vmem>> -> memref<1x128x128xf32, #tpu.memory_space<vmem>>
    %dma_start3A_6 = tpu.memref_squeeze %dma_start3A_5 : memref<1x128x128xf32, #tpu.memory_space<vmem>> -> memref<128x128xf32, #tpu.memory_space<vmem>>
    %dma_start3A_7 = arith.constant 0 : i32
    %dma_start3A_8 = arith.constant 0 : i32
    %dma_start3A_9 = tpu.memref_slice %dma_start3A_6[%dma_start3A_7, %dma_start3A_8] : memref<128x128xf32, #tpu.memory_space<vmem>> -> memref<128x128xf32, #tpu.memory_space<vmem>>
    %dma_start3A_10 = arith.constant 0 : i32
    %dma_start3A_11 = tpu.memref_slice %arg5[%dma_start3A_10] : memref<25600xi32, #tpu.memory_space<vmem>> -> memref<128xi32, #tpu.memory_space<vmem>>
    %dma_start3A_12 = arith.constant 0 : i32
    %dma_start3A_13 = arith.constant 0 : i32
    %dma_start3A_14 = tpu.memref_slice %arg3[%dma_start3A_12, %dma_start3A_13] : memref<1000000x128xf32, #tpu.memory_space<hbm>> -> memref<1000000x128xf32, #tpu.memory_space<hbm>>
    tpu.enqueue_indirect_dma source(%dma_start3A_14 : memref<1000000x128xf32, #tpu.memory_space<hbm>>) target(%dma_start3A_9 : memref<128x128xf32, #tpu.memory_space<vmem>>) offsets(%dma_start3A_11 : memref<128xi32, #tpu.memory_space<vmem>>) semaphore(%arg7 : memref<!tpu.dma_semaphore, #tpu.memory_space<semaphore_mem>>)
    %dma_start3A_15 = arith.constant 1 : i32
    %dma_start3A_16 = arith.constant 0 : i32
    %dma_start3A_17 = arith.constant 0 : i32
    %dma_start3A_18 = tpu.memref_slice %arg6[%dma_start3A_15, %dma_start3A_16, %dma_start3A_17] : memref<5x128x128xf32, #tpu.memory_space<vmem>> -> memref<1x128x128xf32, #tpu.memory_space<vmem>>
    %dma_start3A_19 = tpu.memref_squeeze %dma_start3A_18 : memref<1x128x128xf32, #tpu.memory_space<vmem>> -> memref<128x128xf32, #tpu.memory_space<vmem>>
    %dma_start3A_20 = arith.constant 0 : i32
    %dma_start3A_21 = arith.constant 0 : i32
    %dma_start3A_22 = tpu.memref_slice %dma_start3A_19[%dma_start3A_20, %dma_start3A_21] : memref<128x128xf32, #tpu.memory_space<vmem>> -> memref<128x128xf32, #tpu.memory_space<vmem>>
    %dma_start3A_23 = arith.constant 128 : i32
    %dma_start3A_24 = tpu.memref_slice %arg5[%dma_start3A_23] : memref<25600xi32, #tpu.memory_space<vmem>> -> memref<128xi32, #tpu.memory_space<vmem>>
    %dma_start3A_25 = arith.constant 0 : i32
    %dma_start3A_26 = arith.constant 0 : i32
    %dma_start3A_27 = tpu.memref_slice %arg3[%dma_start3A_25, %dma_start3A_26] : memref<1000000x128xf32, #tpu.memory_space<hbm>> -> memref<1000000x128xf32, #tpu.memory_space<hbm>>
    tpu.enqueue_indirect_dma source(%dma_start3A_27 : memref<1000000x128xf32, #tpu.memory_space<hbm>>) target(%dma_start3A_22 : memref<128x128xf32, #tpu.memory_space<vmem>>) offsets(%dma_start3A_24 : memref<128xi32, #tpu.memory_space<vmem>>) semaphore(%arg8 : memref<!tpu.dma_semaphore, #tpu.memory_space<semaphore_mem>>)
    %dma_start3A_28 = arith.constant 2 : i32
    %dma_start3A_29 = arith.constant 0 : i32
    %dma_start3A_30 = arith.constant 0 : i32
    %dma_start3A_31 = tpu.memref_slice %arg6[%dma_start3A_28, %dma_start3A_29, %dma_start3A_30] : memref<5x128x128xf32, #tpu.memory_space<vmem>> -> memref<1x128x128xf32, #tpu.memory_space<vmem>>
    %dma_start3A_32 = tpu.memref_squeeze %dma_start3A_31 : memref<1x128x128xf32, #tpu.memory_space<vmem>> -> memref<128x128xf32, #tpu.memory_space<vmem>>
    %dma_start3A_33 = arith.constant 0 : i32
    %dma_start3A_34 = arith.constant 0 : i32
    %dma_start3A_35 = tpu.memref_slice %dma_start3A_32[%dma_start3A_33, %dma_start3A_34] : memref<128x128xf32, #tpu.memory_space<vmem>> -> memref<128x128xf32, #tpu.memory_space<vmem>>
    %dma_start3A_36 = arith.constant 256 : i32
    %dma_start3A_37 = tpu.memref_slice %arg5[%dma_start3A_36] : memref<25600xi32, #tpu.memory_space<vmem>> -> memref<128xi32, #tpu.memory_space<vmem>>
    %dma_start3A_38 = arith.constant 0 : i32
    %dma_start3A_39 = arith.constant 0 : i32
    %dma_start3A_40 = tpu.memref_slice %arg3[%dma_start3A_38, %dma_start3A_39] : memref<1000000x128xf32, #tpu.memory_space<hbm>> -> memref<1000000x128xf32, #tpu.memory_space<hbm>>
    tpu.enqueue_indirect_dma source(%dma_start3A_40 : memref<1000000x128xf32, #tpu.memory_space<hbm>>) target(%dma_start3A_35 : memref<128x128xf32, #tpu.memory_space<vmem>>) offsets(%dma_start3A_37 : memref<128xi32, #tpu.memory_space<vmem>>) semaphore(%arg9 : memref<!tpu.dma_semaphore, #tpu.memory_space<semaphore_mem>>)
    %dma_start3A_41 = arith.constant 3 : i32
    %dma_start3A_42 = arith.constant 0 : i32
    %dma_start3A_43 = arith.constant 0 : i32
    %dma_start3A_44 = tpu.memref_slice %arg6[%dma_start3A_41, %dma_start3A_42, %dma_start3A_43] : memref<5x128x128xf32, #tpu.memory_space<vmem>> -> memref<1x128x128xf32, #tpu.memory_space<vmem>>
    %dma_start3A_45 = tpu.memref_squeeze %dma_start3A_44 : memref<1x128x128xf32, #tpu.memory_space<vmem>> -> memref<128x128xf32, #tpu.memory_space<vmem>>
    %dma_start3A_46 = arith.constant 0 : i32
    %dma_start3A_47 = arith.constant 0 : i32
    %dma_start3A_48 = tpu.memref_slice %dma_start3A_45[%dma_start3A_46, %dma_start3A_47] : memref<128x128xf32, #tpu.memory_space<vmem>> -> memref<128x128xf32, #tpu.memory_space<vmem>>
    %dma_start3A_49 = arith.constant 384 : i32
    %dma_start3A_50 = tpu.memref_slice %arg5[%dma_start3A_49] : memref<25600xi32, #tpu.memory_space<vmem>> -> memref<128xi32, #tpu.memory_space<vmem>>
    %dma_start3A_51 = arith.constant 0 : i32
    %dma_start3A_52 = arith.constant 0 : i32
    %dma_start3A_53 = tpu.memref_slice %arg3[%dma_start3A_51, %dma_start3A_52] : memref<1000000x128xf32, #tpu.memory_space<hbm>> -> memref<1000000x128xf32, #tpu.memory_space<hbm>>
    tpu.enqueue_indirect_dma source(%dma_start3A_53 : memref<1000000x128xf32, #tpu.memory_space<hbm>>) target(%dma_start3A_48 : memref<128x128xf32, #tpu.memory_space<vmem>>) offsets(%dma_start3A_50 : memref<128xi32, #tpu.memory_space<vmem>>) semaphore(%arg10 : memref<!tpu.dma_semaphore, #tpu.memory_space<semaphore_mem>>)
    %scan3A = arith.constant 0 : i32
    %scan3A_54 = arith.constant 0 : i32
    %scan3A_55 = arith.constant 40 : i32
    %scan3A_56 = arith.addi %scan3A_54, %scan3A_55 : i32
    %scan3A_57 = arith.constant 1 : i32
    scf.for %scan3A_73 = %scan3A_54 to %scan3A_56 step %scan3A_57  : i32 {
      %mul3A_74 = arith.constant 5 : i32
      %mul3A_75 = arith.muli %scan3A_73, %mul3A_74 : i32
      %add3A_76 = arith.constant 0 : i32
      %add3A_77 = arith.addi %mul3A_75, %add3A_76 : i32
      %add3A_78 = arith.constant 5 : i32
      %add3A_79 = arith.addi %add3A_77, %add3A_78 : i32
      %sub3A = arith.constant 1 : i32
      %sub3A_80 = arith.subi %add3A_79, %sub3A : i32
      %ge3A = arith.constant 1 : i32
      %ge3A_81 = arith.cmpi sge, %add3A_77, %ge3A : i32
      %convert_element_type3A = arith.extui %ge3A_81 : i1 to i32
      %cond3A = arith.constant 0 : i32
      %cond3A_82 = arith.cmpi ne, %convert_element_type3A, %cond3A : i32
      scf.if %cond3A_82 {
        %dma_wait3A_314 = arith.constant 4 : i32
        %dma_wait3A_315 = arith.constant 0 : i32
        %dma_wait3A_316 = arith.constant 0 : i32
        %dma_wait3A_317 = tpu.memref_slice %arg6[%dma_wait3A_314, %dma_wait3A_315, %dma_wait3A_316] : memref<5x128x128xf32, #tpu.memory_space<vmem>> -> memref<1x128x128xf32, #tpu.memory_space<vmem>>
        %dma_wait3A_318 = tpu.memref_squeeze %dma_wait3A_317 : memref<1x128x128xf32, #tpu.memory_space<vmem>> -> memref<128x128xf32, #tpu.memory_space<vmem>>
        %dma_wait3A_319 = arith.constant 0 : i32
        %dma_wait3A_320 = arith.constant 0 : i32
        %dma_wait3A_321 = tpu.memref_slice %arg4[%dma_wait3A_319, %dma_wait3A_320] : memref<819200x128xf32, #tpu.memory_space<hbm>> -> memref<128x128xf32, #tpu.memory_space<hbm>>
        %dma_wait3A_322 = arith.constant 0 : i32
        %dma_wait3A_323 = arith.constant 0 : i32
        %dma_wait3A_324 = tpu.memref_slice %arg6[%dma_wait3A_314, %dma_wait3A_322, %dma_wait3A_323] : memref<5x128x128xf32, #tpu.memory_space<vmem>> -> memref<1x128x128xf32, #tpu.memory_space<vmem>>
        %dma_wait3A_325 = tpu.memref_squeeze %dma_wait3A_324 : memref<1x128x128xf32, #tpu.memory_space<vmem>> -> memref<128x128xf32, #tpu.memory_space<vmem>>
        %dma_wait3A_326 = arith.constant 0 : i32
        %dma_wait3A_327 = arith.constant 0 : i32
        %dma_wait3A_328 = tpu.memref_slice %arg4[%dma_wait3A_326, %dma_wait3A_327] : memref<819200x128xf32, #tpu.memory_space<hbm>> -> memref<128x128xf32, #tpu.memory_space<hbm>>
        tpu.wait_dma2 semaphore(%arg16 : memref<!tpu.dma_semaphore, #tpu.memory_space<semaphore_mem>>) src(%dma_wait3A_328 : memref<128x128xf32, #tpu.memory_space<hbm>>) dst(%dma_wait3A_325 : memref<128x128xf32, #tpu.memory_space<vmem>>)
      } else {
      }
      %lt3A = arith.constant 200 : i32
      %lt3A_83 = arith.cmpi slt, %sub3A_80, %lt3A : i32
      %convert_element_type3A_84 = arith.extui %lt3A_83 : i1 to i32
      %cond3A_85 = arith.constant 0 : i32
      %cond3A_86 = arith.cmpi ne, %convert_element_type3A_84, %cond3A_85 : i32
      scf.if %cond3A_86 {
        %mul3A_314 = arith.constant 128 : i32
        %mul3A_315 = arith.muli %sub3A_80, %mul3A_314 : i32
        %add3A_316 = arith.constant 0 : i32
        %add3A_317 = arith.addi %mul3A_315, %add3A_316 : i32
        %dma_start3A_318 = arith.constant 4 : i32
        %dma_start3A_319 = arith.constant 0 : i32
        %dma_start3A_320 = arith.constant 0 : i32
        %dma_start3A_321 = tpu.memref_slice %arg6[%dma_start3A_318, %dma_start3A_319, %dma_start3A_320] : memref<5x128x128xf32, #tpu.memory_space<vmem>> -> memref<1x128x128xf32, #tpu.memory_space<vmem>>
        %dma_start3A_322 = tpu.memref_squeeze %dma_start3A_321 : memref<1x128x128xf32, #tpu.memory_space<vmem>> -> memref<128x128xf32, #tpu.memory_space<vmem>>
        %dma_start3A_323 = arith.constant 0 : i32
        %dma_start3A_324 = arith.constant 0 : i32
        %dma_start3A_325 = tpu.memref_slice %dma_start3A_322[%dma_start3A_323, %dma_start3A_324] : memref<128x128xf32, #tpu.memory_space<vmem>> -> memref<128x128xf32, #tpu.memory_space<vmem>>
        %dma_start3A_326 = tpu.memref_slice %arg5[%add3A_317] : memref<25600xi32, #tpu.memory_space<vmem>> -> memref<128xi32, #tpu.memory_space<vmem>>
        %dma_start3A_327 = arith.constant 0 : i32
        %dma_start3A_328 = arith.constant 0 : i32
        %dma_start3A_329 = tpu.memref_slice %arg3[%dma_start3A_327, %dma_start3A_328] : memref<1000000x128xf32, #tpu.memory_space<hbm>> -> memref<1000000x128xf32, #tpu.memory_space<hbm>>
        tpu.enqueue_indirect_dma source(%dma_start3A_329 : memref<1000000x128xf32, #tpu.memory_space<hbm>>) target(%dma_start3A_325 : memref<128x128xf32, #tpu.memory_space<vmem>>) offsets(%dma_start3A_326 : memref<128xi32, #tpu.memory_space<vmem>>) semaphore(%arg11 : memref<!tpu.dma_semaphore, #tpu.memory_space<semaphore_mem>>)
      } else {
      }
      %dma_wait3A_87 = arith.constant 0 : i32
      %dma_wait3A_88 = arith.constant 0 : i32
      %dma_wait3A_89 = arith.constant 0 : i32
      %dma_wait3A_90 = tpu.memref_slice %arg6[%dma_wait3A_87, %dma_wait3A_88, %dma_wait3A_89] : memref<5x128x128xf32, #tpu.memory_space<vmem>> -> memref<1x128x128xf32, #tpu.memory_space<vmem>>
      %dma_wait3A_91 = tpu.memref_squeeze %dma_wait3A_90 : memref<1x128x128xf32, #tpu.memory_space<vmem>> -> memref<128x128xf32, #tpu.memory_space<vmem>>
      %dma_wait3A_92 = arith.constant 0 : i32
      %dma_wait3A_93 = arith.constant 0 : i32
      %dma_wait3A_94 = tpu.memref_slice %arg4[%dma_wait3A_92, %dma_wait3A_93] : memref<819200x128xf32, #tpu.memory_space<hbm>> -> memref<128x128xf32, #tpu.memory_space<hbm>>
      %dma_wait3A_95 = arith.constant 0 : i32
      %dma_wait3A_96 = arith.constant 0 : i32
      %dma_wait3A_97 = tpu.memref_slice %arg6[%dma_wait3A_87, %dma_wait3A_95, %dma_wait3A_96] : memref<5x128x128xf32, #tpu.memory_space<vmem>> -> memref<1x128x128xf32, #tpu.memory_space<vmem>>
      %dma_wait3A_98 = tpu.memref_squeeze %dma_wait3A_97 : memref<1x128x128xf32, #tpu.memory_space<vmem>> -> memref<128x128xf32, #tpu.memory_space<vmem>>
      %dma_wait3A_99 = arith.constant 0 : i32
      %dma_wait3A_100 = arith.constant 0 : i32
      %dma_wait3A_101 = tpu.memref_slice %arg4[%dma_wait3A_99, %dma_wait3A_100] : memref<819200x128xf32, #tpu.memory_space<hbm>> -> memref<128x128xf32, #tpu.memory_space<hbm>>
      tpu.wait_dma2 semaphore(%arg7 : memref<!tpu.dma_semaphore, #tpu.memory_space<semaphore_mem>>) src(%dma_wait3A_101 : memref<128x128xf32, #tpu.memory_space<hbm>>) dst(%dma_wait3A_98 : memref<128x128xf32, #tpu.memory_space<vmem>>)
      %mul3A_102 = arith.constant 128 : i32
      %mul3A_103 = arith.muli %add3A_77, %mul3A_102 : i32
      %add3A_104 = arith.addi %mul3A_2, %mul3A_103 : i32
      %dma_start3A_105 = arith.constant 0 : i32
      %dma_start3A_106 = arith.constant 0 : i32
      %dma_start3A_107 = arith.constant 0 : i32
      %dma_start3A_108 = tpu.memref_slice %arg6[%dma_start3A_105, %dma_start3A_106, %dma_start3A_107] : memref<5x128x128xf32, #tpu.memory_space<vmem>> -> memref<1x128x128xf32, #tpu.memory_space<vmem>>
      %dma_start3A_109 = tpu.memref_squeeze %dma_start3A_108 : memref<1x128x128xf32, #tpu.memory_space<vmem>> -> memref<128x128xf32, #tpu.memory_space<vmem>>
      %dma_start3A_110 = arith.constant 0 : i32
      %dma_start3A_111 = tpu.memref_slice %arg4[%add3A_104, %dma_start3A_110] : memref<819200x128xf32, #tpu.memory_space<hbm>> -> memref<128x128xf32, #tpu.memory_space<hbm>>
      %dma_start3A_112 = arith.constant 0 : i32
      %dma_start3A_113 = tpu.memref_slice %arg4[%add3A_104, %dma_start3A_112] : memref<819200x128xf32, #tpu.memory_space<hbm>> -> memref<128x128xf32, #tpu.memory_space<hbm>>
      %dma_start3A_114 = arith.constant 0 : i32
      %dma_start3A_115 = arith.constant 0 : i32
      %dma_start3A_116 = tpu.memref_slice %arg6[%dma_start3A_105, %dma_start3A_114, %dma_start3A_115] : memref<5x128x128xf32, #tpu.memory_space<vmem>> -> memref<1x128x128xf32, #tpu.memory_space<vmem>>
      %dma_start3A_117 = tpu.memref_squeeze %dma_start3A_116 : memref<1x128x128xf32, #tpu.memory_space<vmem>> -> memref<128x128xf32, #tpu.memory_space<vmem>>
      tpu.enqueue_dma source(%dma_start3A_117 : memref<128x128xf32, #tpu.memory_space<vmem>>) target(%dma_start3A_113 : memref<128x128xf32, #tpu.memory_space<hbm>>) target_semaphore(%arg12 : memref<!tpu.dma_semaphore, #tpu.memory_space<semaphore_mem>>)
      %mul3A_118 = arith.constant 5 : i32
      %mul3A_119 = arith.muli %scan3A_73, %mul3A_118 : i32
      %add3A_120 = arith.constant 1 : i32
      %add3A_121 = arith.addi %mul3A_119, %add3A_120 : i32
      %add3A_122 = arith.constant 5 : i32
      %add3A_123 = arith.addi %add3A_121, %add3A_122 : i32
      %sub3A_124 = arith.constant 1 : i32
      %sub3A_125 = arith.subi %add3A_123, %sub3A_124 : i32
      %ge3A_126 = arith.constant 1 : i32
      %ge3A_127 = arith.cmpi sge, %add3A_121, %ge3A_126 : i32
      %convert_element_type3A_128 = arith.extui %ge3A_127 : i1 to i32
      %cond3A_129 = arith.constant 0 : i32
      %cond3A_130 = arith.cmpi ne, %convert_element_type3A_128, %cond3A_129 : i32
      scf.if %cond3A_130 {
        %dma_wait3A_314 = arith.constant 0 : i32
        %dma_wait3A_315 = arith.constant 0 : i32
        %dma_wait3A_316 = arith.constant 0 : i32
        %dma_wait3A_317 = tpu.memref_slice %arg6[%dma_wait3A_314, %dma_wait3A_315, %dma_wait3A_316] : memref<5x128x128xf32, #tpu.memory_space<vmem>> -> memref<1x128x128xf32, #tpu.memory_space<vmem>>
        %dma_wait3A_318 = tpu.memref_squeeze %dma_wait3A_317 : memref<1x128x128xf32, #tpu.memory_space<vmem>> -> memref<128x128xf32, #tpu.memory_space<vmem>>
        %dma_wait3A_319 = arith.constant 0 : i32
        %dma_wait3A_320 = arith.constant 0 : i32
        %dma_wait3A_321 = tpu.memref_slice %arg4[%dma_wait3A_319, %dma_wait3A_320] : memref<819200x128xf32, #tpu.memory_space<hbm>> -> memref<128x128xf32, #tpu.memory_space<hbm>>
        %dma_wait3A_322 = arith.constant 0 : i32
        %dma_wait3A_323 = arith.constant 0 : i32
        %dma_wait3A_324 = tpu.memref_slice %arg6[%dma_wait3A_314, %dma_wait3A_322, %dma_wait3A_323] : memref<5x128x128xf32, #tpu.memory_space<vmem>> -> memref<1x128x128xf32, #tpu.memory_space<vmem>>
        %dma_wait3A_325 = tpu.memref_squeeze %dma_wait3A_324 : memref<1x128x128xf32, #tpu.memory_space<vmem>> -> memref<128x128xf32, #tpu.memory_space<vmem>>
        %dma_wait3A_326 = arith.constant 0 : i32
        %dma_wait3A_327 = arith.constant 0 : i32
        %dma_wait3A_328 = tpu.memref_slice %arg4[%dma_wait3A_326, %dma_wait3A_327] : memref<819200x128xf32, #tpu.memory_space<hbm>> -> memref<128x128xf32, #tpu.memory_space<hbm>>
        tpu.wait_dma2 semaphore(%arg12 : memref<!tpu.dma_semaphore, #tpu.memory_space<semaphore_mem>>) src(%dma_wait3A_328 : memref<128x128xf32, #tpu.memory_space<hbm>>) dst(%dma_wait3A_325 : memref<128x128xf32, #tpu.memory_space<vmem>>)
      } else {
      }
      %lt3A_131 = arith.constant 200 : i32
      %lt3A_132 = arith.cmpi slt, %sub3A_125, %lt3A_131 : i32
      %convert_element_type3A_133 = arith.extui %lt3A_132 : i1 to i32
      %cond3A_134 = arith.constant 0 : i32
      %cond3A_135 = arith.cmpi ne, %convert_element_type3A_133, %cond3A_134 : i32
      scf.if %cond3A_135 {
        %mul3A_314 = arith.constant 128 : i32
        %mul3A_315 = arith.muli %sub3A_125, %mul3A_314 : i32
        %add3A_316 = arith.constant 0 : i32
        %add3A_317 = arith.addi %mul3A_315, %add3A_316 : i32
        %dma_start3A_318 = arith.constant 0 : i32
        %dma_start3A_319 = arith.constant 0 : i32
        %dma_start3A_320 = arith.constant 0 : i32
        %dma_start3A_321 = tpu.memref_slice %arg6[%dma_start3A_318, %dma_start3A_319, %dma_start3A_320] : memref<5x128x128xf32, #tpu.memory_space<vmem>> -> memref<1x128x128xf32, #tpu.memory_space<vmem>>
        %dma_start3A_322 = tpu.memref_squeeze %dma_start3A_321 : memref<1x128x128xf32, #tpu.memory_space<vmem>> -> memref<128x128xf32, #tpu.memory_space<vmem>>
        %dma_start3A_323 = arith.constant 0 : i32
        %dma_start3A_324 = arith.constant 0 : i32
        %dma_start3A_325 = tpu.memref_slice %dma_start3A_322[%dma_start3A_323, %dma_start3A_324] : memref<128x128xf32, #tpu.memory_space<vmem>> -> memref<128x128xf32, #tpu.memory_space<vmem>>
        %dma_start3A_326 = tpu.memref_slice %arg5[%add3A_317] : memref<25600xi32, #tpu.memory_space<vmem>> -> memref<128xi32, #tpu.memory_space<vmem>>
        %dma_start3A_327 = arith.constant 0 : i32
        %dma_start3A_328 = arith.constant 0 : i32
        %dma_start3A_329 = tpu.memref_slice %arg3[%dma_start3A_327, %dma_start3A_328] : memref<1000000x128xf32, #tpu.memory_space<hbm>> -> memref<1000000x128xf32, #tpu.memory_space<hbm>>
        tpu.enqueue_indirect_dma source(%dma_start3A_329 : memref<1000000x128xf32, #tpu.memory_space<hbm>>) target(%dma_start3A_325 : memref<128x128xf32, #tpu.memory_space<vmem>>) offsets(%dma_start3A_326 : memref<128xi32, #tpu.memory_space<vmem>>) semaphore(%arg7 : memref<!tpu.dma_semaphore, #tpu.memory_space<semaphore_mem>>)
      } else {
      }
      %dma_wait3A_136 = arith.constant 1 : i32
      %dma_wait3A_137 = arith.constant 0 : i32
      %dma_wait3A_138 = arith.constant 0 : i32
      %dma_wait3A_139 = tpu.memref_slice %arg6[%dma_wait3A_136, %dma_wait3A_137, %dma_wait3A_138] : memref<5x128x128xf32, #tpu.memory_space<vmem>> -> memref<1x128x128xf32, #tpu.memory_space<vmem>>
      %dma_wait3A_140 = tpu.memref_squeeze %dma_wait3A_139 : memref<1x128x128xf32, #tpu.memory_space<vmem>> -> memref<128x128xf32, #tpu.memory_space<vmem>>
      %dma_wait3A_141 = arith.constant 0 : i32
      %dma_wait3A_142 = arith.constant 0 : i32
      %dma_wait3A_143 = tpu.memref_slice %arg4[%dma_wait3A_141, %dma_wait3A_142] : memref<819200x128xf32, #tpu.memory_space<hbm>> -> memref<128x128xf32, #tpu.memory_space<hbm>>
      %dma_wait3A_144 = arith.constant 0 : i32
      %dma_wait3A_145 = arith.constant 0 : i32
      %dma_wait3A_146 = tpu.memref_slice %arg6[%dma_wait3A_136, %dma_wait3A_144, %dma_wait3A_145] : memref<5x128x128xf32, #tpu.memory_space<vmem>> -> memref<1x128x128xf32, #tpu.memory_space<vmem>>
      %dma_wait3A_147 = tpu.memref_squeeze %dma_wait3A_146 : memref<1x128x128xf32, #tpu.memory_space<vmem>> -> memref<128x128xf32, #tpu.memory_space<vmem>>
      %dma_wait3A_148 = arith.constant 0 : i32
      %dma_wait3A_149 = arith.constant 0 : i32
      %dma_wait3A_150 = tpu.memref_slice %arg4[%dma_wait3A_148, %dma_wait3A_149] : memref<819200x128xf32, #tpu.memory_space<hbm>> -> memref<128x128xf32, #tpu.memory_space<hbm>>
      tpu.wait_dma2 semaphore(%arg8 : memref<!tpu.dma_semaphore, #tpu.memory_space<semaphore_mem>>) src(%dma_wait3A_150 : memref<128x128xf32, #tpu.memory_space<hbm>>) dst(%dma_wait3A_147 : memref<128x128xf32, #tpu.memory_space<vmem>>)
      %mul3A_151 = arith.constant 128 : i32
      %mul3A_152 = arith.muli %add3A_121, %mul3A_151 : i32
      %add3A_153 = arith.addi %mul3A_2, %mul3A_152 : i32
      %dma_start3A_154 = arith.constant 1 : i32
      %dma_start3A_155 = arith.constant 0 : i32
      %dma_start3A_156 = arith.constant 0 : i32
      %dma_start3A_157 = tpu.memref_slice %arg6[%dma_start3A_154, %dma_start3A_155, %dma_start3A_156] : memref<5x128x128xf32, #tpu.memory_space<vmem>> -> memref<1x128x128xf32, #tpu.memory_space<vmem>>
      %dma_start3A_158 = tpu.memref_squeeze %dma_start3A_157 : memref<1x128x128xf32, #tpu.memory_space<vmem>> -> memref<128x128xf32, #tpu.memory_space<vmem>>
      %dma_start3A_159 = arith.constant 0 : i32
      %dma_start3A_160 = tpu.memref_slice %arg4[%add3A_153, %dma_start3A_159] : memref<819200x128xf32, #tpu.memory_space<hbm>> -> memref<128x128xf32, #tpu.memory_space<hbm>>
      %dma_start3A_161 = arith.constant 0 : i32
      %dma_start3A_162 = tpu.memref_slice %arg4[%add3A_153, %dma_start3A_161] : memref<819200x128xf32, #tpu.memory_space<hbm>> -> memref<128x128xf32, #tpu.memory_space<hbm>>
      %dma_start3A_163 = arith.constant 0 : i32
      %dma_start3A_164 = arith.constant 0 : i32
      %dma_start3A_165 = tpu.memref_slice %arg6[%dma_start3A_154, %dma_start3A_163, %dma_start3A_164] : memref<5x128x128xf32, #tpu.memory_space<vmem>> -> memref<1x128x128xf32, #tpu.memory_space<vmem>>
      %dma_start3A_166 = tpu.memref_squeeze %dma_start3A_165 : memref<1x128x128xf32, #tpu.memory_space<vmem>> -> memref<128x128xf32, #tpu.memory_space<vmem>>
      tpu.enqueue_dma source(%dma_start3A_166 : memref<128x128xf32, #tpu.memory_space<vmem>>) target(%dma_start3A_162 : memref<128x128xf32, #tpu.memory_space<hbm>>) target_semaphore(%arg13 : memref<!tpu.dma_semaphore, #tpu.memory_space<semaphore_mem>>)
      %mul3A_167 = arith.constant 5 : i32
      %mul3A_168 = arith.muli %scan3A_73, %mul3A_167 : i32
      %add3A_169 = arith.constant 2 : i32
      %add3A_170 = arith.addi %mul3A_168, %add3A_169 : i32
      %add3A_171 = arith.constant 5 : i32
      %add3A_172 = arith.addi %add3A_170, %add3A_171 : i32
      %sub3A_173 = arith.constant 1 : i32
      %sub3A_174 = arith.subi %add3A_172, %sub3A_173 : i32
      %ge3A_175 = arith.constant 1 : i32
      %ge3A_176 = arith.cmpi sge, %add3A_170, %ge3A_175 : i32
      %convert_element_type3A_177 = arith.extui %ge3A_176 : i1 to i32
      %cond3A_178 = arith.constant 0 : i32
      %cond3A_179 = arith.cmpi ne, %convert_element_type3A_177, %cond3A_178 : i32
      scf.if %cond3A_179 {
        %dma_wait3A_314 = arith.constant 1 : i32
        %dma_wait3A_315 = arith.constant 0 : i32
        %dma_wait3A_316 = arith.constant 0 : i32
        %dma_wait3A_317 = tpu.memref_slice %arg6[%dma_wait3A_314, %dma_wait3A_315, %dma_wait3A_316] : memref<5x128x128xf32, #tpu.memory_space<vmem>> -> memref<1x128x128xf32, #tpu.memory_space<vmem>>
        %dma_wait3A_318 = tpu.memref_squeeze %dma_wait3A_317 : memref<1x128x128xf32, #tpu.memory_space<vmem>> -> memref<128x128xf32, #tpu.memory_space<vmem>>
        %dma_wait3A_319 = arith.constant 0 : i32
        %dma_wait3A_320 = arith.constant 0 : i32
        %dma_wait3A_321 = tpu.memref_slice %arg4[%dma_wait3A_319, %dma_wait3A_320] : memref<819200x128xf32, #tpu.memory_space<hbm>> -> memref<128x128xf32, #tpu.memory_space<hbm>>
        %dma_wait3A_322 = arith.constant 0 : i32
        %dma_wait3A_323 = arith.constant 0 : i32
        %dma_wait3A_324 = tpu.memref_slice %arg6[%dma_wait3A_314, %dma_wait3A_322, %dma_wait3A_323] : memref<5x128x128xf32, #tpu.memory_space<vmem>> -> memref<1x128x128xf32, #tpu.memory_space<vmem>>
        %dma_wait3A_325 = tpu.memref_squeeze %dma_wait3A_324 : memref<1x128x128xf32, #tpu.memory_space<vmem>> -> memref<128x128xf32, #tpu.memory_space<vmem>>
        %dma_wait3A_326 = arith.constant 0 : i32
        %dma_wait3A_327 = arith.constant 0 : i32
        %dma_wait3A_328 = tpu.memref_slice %arg4[%dma_wait3A_326, %dma_wait3A_327] : memref<819200x128xf32, #tpu.memory_space<hbm>> -> memref<128x128xf32, #tpu.memory_space<hbm>>
        tpu.wait_dma2 semaphore(%arg13 : memref<!tpu.dma_semaphore, #tpu.memory_space<semaphore_mem>>) src(%dma_wait3A_328 : memref<128x128xf32, #tpu.memory_space<hbm>>) dst(%dma_wait3A_325 : memref<128x128xf32, #tpu.memory_space<vmem>>)
      } else {
      }
      %lt3A_180 = arith.constant 200 : i32
      %lt3A_181 = arith.cmpi slt, %sub3A_174, %lt3A_180 : i32
      %convert_element_type3A_182 = arith.extui %lt3A_181 : i1 to i32
      %cond3A_183 = arith.constant 0 : i32
      %cond3A_184 = arith.cmpi ne, %convert_element_type3A_182, %cond3A_183 : i32
      scf.if %cond3A_184 {
        %mul3A_314 = arith.constant 128 : i32
        %mul3A_315 = arith.muli %sub3A_174, %mul3A_314 : i32
        %add3A_316 = arith.constant 0 : i32
        %add3A_317 = arith.addi %mul3A_315, %add3A_316 : i32
        %dma_start3A_318 = arith.constant 1 : i32
        %dma_start3A_319 = arith.constant 0 : i32
        %dma_start3A_320 = arith.constant 0 : i32
        %dma_start3A_321 = tpu.memref_slice %arg6[%dma_start3A_318, %dma_start3A_319, %dma_start3A_320] : memref<5x128x128xf32, #tpu.memory_space<vmem>> -> memref<1x128x128xf32, #tpu.memory_space<vmem>>
        %dma_start3A_322 = tpu.memref_squeeze %dma_start3A_321 : memref<1x128x128xf32, #tpu.memory_space<vmem>> -> memref<128x128xf32, #tpu.memory_space<vmem>>
        %dma_start3A_323 = arith.constant 0 : i32
        %dma_start3A_324 = arith.constant 0 : i32
        %dma_start3A_325 = tpu.memref_slice %dma_start3A_322[%dma_start3A_323, %dma_start3A_324] : memref<128x128xf32, #tpu.memory_space<vmem>> -> memref<128x128xf32, #tpu.memory_space<vmem>>
        %dma_start3A_326 = tpu.memref_slice %arg5[%add3A_317] : memref<25600xi32, #tpu.memory_space<vmem>> -> memref<128xi32, #tpu.memory_space<vmem>>
        %dma_start3A_327 = arith.constant 0 : i32
        %dma_start3A_328 = arith.constant 0 : i32
        %dma_start3A_329 = tpu.memref_slice %arg3[%dma_start3A_327, %dma_start3A_328] : memref<1000000x128xf32, #tpu.memory_space<hbm>> -> memref<1000000x128xf32, #tpu.memory_space<hbm>>
        tpu.enqueue_indirect_dma source(%dma_start3A_329 : memref<1000000x128xf32, #tpu.memory_space<hbm>>) target(%dma_start3A_325 : memref<128x128xf32, #tpu.memory_space<vmem>>) offsets(%dma_start3A_326 : memref<128xi32, #tpu.memory_space<vmem>>) semaphore(%arg8 : memref<!tpu.dma_semaphore, #tpu.memory_space<semaphore_mem>>)
      } else {
      }
      %dma_wait3A_185 = arith.constant 2 : i32
      %dma_wait3A_186 = arith.constant 0 : i32
      %dma_wait3A_187 = arith.constant 0 : i32
      %dma_wait3A_188 = tpu.memref_slice %arg6[%dma_wait3A_185, %dma_wait3A_186, %dma_wait3A_187] : memref<5x128x128xf32, #tpu.memory_space<vmem>> -> memref<1x128x128xf32, #tpu.memory_space<vmem>>
      %dma_wait3A_189 = tpu.memref_squeeze %dma_wait3A_188 : memref<1x128x128xf32, #tpu.memory_space<vmem>> -> memref<128x128xf32, #tpu.memory_space<vmem>>
      %dma_wait3A_190 = arith.constant 0 : i32
      %dma_wait3A_191 = arith.constant 0 : i32
      %dma_wait3A_192 = tpu.memref_slice %arg4[%dma_wait3A_190, %dma_wait3A_191] : memref<819200x128xf32, #tpu.memory_space<hbm>> -> memref<128x128xf32, #tpu.memory_space<hbm>>
      %dma_wait3A_193 = arith.constant 0 : i32
      %dma_wait3A_194 = arith.constant 0 : i32
      %dma_wait3A_195 = tpu.memref_slice %arg6[%dma_wait3A_185, %dma_wait3A_193, %dma_wait3A_194] : memref<5x128x128xf32, #tpu.memory_space<vmem>> -> memref<1x128x128xf32, #tpu.memory_space<vmem>>
      %dma_wait3A_196 = tpu.memref_squeeze %dma_wait3A_195 : memref<1x128x128xf32, #tpu.memory_space<vmem>> -> memref<128x128xf32, #tpu.memory_space<vmem>>
      %dma_wait3A_197 = arith.constant 0 : i32
      %dma_wait3A_198 = arith.constant 0 : i32
      %dma_wait3A_199 = tpu.memref_slice %arg4[%dma_wait3A_197, %dma_wait3A_198] : memref<819200x128xf32, #tpu.memory_space<hbm>> -> memref<128x128xf32, #tpu.memory_space<hbm>>
      tpu.wait_dma2 semaphore(%arg9 : memref<!tpu.dma_semaphore, #tpu.memory_space<semaphore_mem>>) src(%dma_wait3A_199 : memref<128x128xf32, #tpu.memory_space<hbm>>) dst(%dma_wait3A_196 : memref<128x128xf32, #tpu.memory_space<vmem>>)
      %mul3A_200 = arith.constant 128 : i32
      %mul3A_201 = arith.muli %add3A_170, %mul3A_200 : i32
      %add3A_202 = arith.addi %mul3A_2, %mul3A_201 : i32
      %dma_start3A_203 = arith.constant 2 : i32
      %dma_start3A_204 = arith.constant 0 : i32
      %dma_start3A_205 = arith.constant 0 : i32
      %dma_start3A_206 = tpu.memref_slice %arg6[%dma_start3A_203, %dma_start3A_204, %dma_start3A_205] : memref<5x128x128xf32, #tpu.memory_space<vmem>> -> memref<1x128x128xf32, #tpu.memory_space<vmem>>
      %dma_start3A_207 = tpu.memref_squeeze %dma_start3A_206 : memref<1x128x128xf32, #tpu.memory_space<vmem>> -> memref<128x128xf32, #tpu.memory_space<vmem>>
      %dma_start3A_208 = arith.constant 0 : i32
      %dma_start3A_209 = tpu.memref_slice %arg4[%add3A_202, %dma_start3A_208] : memref<819200x128xf32, #tpu.memory_space<hbm>> -> memref<128x128xf32, #tpu.memory_space<hbm>>
      %dma_start3A_210 = arith.constant 0 : i32
      %dma_start3A_211 = tpu.memref_slice %arg4[%add3A_202, %dma_start3A_210] : memref<819200x128xf32, #tpu.memory_space<hbm>> -> memref<128x128xf32, #tpu.memory_space<hbm>>
      %dma_start3A_212 = arith.constant 0 : i32
      %dma_start3A_213 = arith.constant 0 : i32
      %dma_start3A_214 = tpu.memref_slice %arg6[%dma_start3A_203, %dma_start3A_212, %dma_start3A_213] : memref<5x128x128xf32, #tpu.memory_space<vmem>> -> memref<1x128x128xf32, #tpu.memory_space<vmem>>
      %dma_start3A_215 = tpu.memref_squeeze %dma_start3A_214 : memref<1x128x128xf32, #tpu.memory_space<vmem>> -> memref<128x128xf32, #tpu.memory_space<vmem>>
      tpu.enqueue_dma source(%dma_start3A_215 : memref<128x128xf32, #tpu.memory_space<vmem>>) target(%dma_start3A_211 : memref<128x128xf32, #tpu.memory_space<hbm>>) target_semaphore(%arg14 : memref<!tpu.dma_semaphore, #tpu.memory_space<semaphore_mem>>)
      %mul3A_216 = arith.constant 5 : i32
      %mul3A_217 = arith.muli %scan3A_73, %mul3A_216 : i32
      %add3A_218 = arith.constant 3 : i32
      %add3A_219 = arith.addi %mul3A_217, %add3A_218 : i32
      %add3A_220 = arith.constant 5 : i32
      %add3A_221 = arith.addi %add3A_219, %add3A_220 : i32
      %sub3A_222 = arith.constant 1 : i32
      %sub3A_223 = arith.subi %add3A_221, %sub3A_222 : i32
      %ge3A_224 = arith.constant 1 : i32
      %ge3A_225 = arith.cmpi sge, %add3A_219, %ge3A_224 : i32
      %convert_element_type3A_226 = arith.extui %ge3A_225 : i1 to i32
      %cond3A_227 = arith.constant 0 : i32
      %cond3A_228 = arith.cmpi ne, %convert_element_type3A_226, %cond3A_227 : i32
      scf.if %cond3A_228 {
        %dma_wait3A_314 = arith.constant 2 : i32
        %dma_wait3A_315 = arith.constant 0 : i32
        %dma_wait3A_316 = arith.constant 0 : i32
        %dma_wait3A_317 = tpu.memref_slice %arg6[%dma_wait3A_314, %dma_wait3A_315, %dma_wait3A_316] : memref<5x128x128xf32, #tpu.memory_space<vmem>> -> memref<1x128x128xf32, #tpu.memory_space<vmem>>
        %dma_wait3A_318 = tpu.memref_squeeze %dma_wait3A_317 : memref<1x128x128xf32, #tpu.memory_space<vmem>> -> memref<128x128xf32, #tpu.memory_space<vmem>>
        %dma_wait3A_319 = arith.constant 0 : i32
        %dma_wait3A_320 = arith.constant 0 : i32
        %dma_wait3A_321 = tpu.memref_slice %arg4[%dma_wait3A_319, %dma_wait3A_320] : memref<819200x128xf32, #tpu.memory_space<hbm>> -> memref<128x128xf32, #tpu.memory_space<hbm>>
        %dma_wait3A_322 = arith.constant 0 : i32
        %dma_wait3A_323 = arith.constant 0 : i32
        %dma_wait3A_324 = tpu.memref_slice %arg6[%dma_wait3A_314, %dma_wait3A_322, %dma_wait3A_323] : memref<5x128x128xf32, #tpu.memory_space<vmem>> -> memref<1x128x128xf32, #tpu.memory_space<vmem>>
        %dma_wait3A_325 = tpu.memref_squeeze %dma_wait3A_324 : memref<1x128x128xf32, #tpu.memory_space<vmem>> -> memref<128x128xf32, #tpu.memory_space<vmem>>
        %dma_wait3A_326 = arith.constant 0 : i32
        %dma_wait3A_327 = arith.constant 0 : i32
        %dma_wait3A_328 = tpu.memref_slice %arg4[%dma_wait3A_326, %dma_wait3A_327] : memref<819200x128xf32, #tpu.memory_space<hbm>> -> memref<128x128xf32, #tpu.memory_space<hbm>>
        tpu.wait_dma2 semaphore(%arg14 : memref<!tpu.dma_semaphore, #tpu.memory_space<semaphore_mem>>) src(%dma_wait3A_328 : memref<128x128xf32, #tpu.memory_space<hbm>>) dst(%dma_wait3A_325 : memref<128x128xf32, #tpu.memory_space<vmem>>)
      } else {
      }
      %lt3A_229 = arith.constant 200 : i32
      %lt3A_230 = arith.cmpi slt, %sub3A_223, %lt3A_229 : i32
      %convert_element_type3A_231 = arith.extui %lt3A_230 : i1 to i32
      %cond3A_232 = arith.constant 0 : i32
      %cond3A_233 = arith.cmpi ne, %convert_element_type3A_231, %cond3A_232 : i32
      scf.if %cond3A_233 {
        %mul3A_314 = arith.constant 128 : i32
        %mul3A_315 = arith.muli %sub3A_223, %mul3A_314 : i32
        %add3A_316 = arith.constant 0 : i32
        %add3A_317 = arith.addi %mul3A_315, %add3A_316 : i32
        %dma_start3A_318 = arith.constant 2 : i32
        %dma_start3A_319 = arith.constant 0 : i32
        %dma_start3A_320 = arith.constant 0 : i32
        %dma_start3A_321 = tpu.memref_slice %arg6[%dma_start3A_318, %dma_start3A_319, %dma_start3A_320] : memref<5x128x128xf32, #tpu.memory_space<vmem>> -> memref<1x128x128xf32, #tpu.memory_space<vmem>>
        %dma_start3A_322 = tpu.memref_squeeze %dma_start3A_321 : memref<1x128x128xf32, #tpu.memory_space<vmem>> -> memref<128x128xf32, #tpu.memory_space<vmem>>
        %dma_start3A_323 = arith.constant 0 : i32
        %dma_start3A_324 = arith.constant 0 : i32
        %dma_start3A_325 = tpu.memref_slice %dma_start3A_322[%dma_start3A_323, %dma_start3A_324] : memref<128x128xf32, #tpu.memory_space<vmem>> -> memref<128x128xf32, #tpu.memory_space<vmem>>
        %dma_start3A_326 = tpu.memref_slice %arg5[%add3A_317] : memref<25600xi32, #tpu.memory_space<vmem>> -> memref<128xi32, #tpu.memory_space<vmem>>
        %dma_start3A_327 = arith.constant 0 : i32
        %dma_start3A_328 = arith.constant 0 : i32
        %dma_start3A_329 = tpu.memref_slice %arg3[%dma_start3A_327, %dma_start3A_328] : memref<1000000x128xf32, #tpu.memory_space<hbm>> -> memref<1000000x128xf32, #tpu.memory_space<hbm>>
        tpu.enqueue_indirect_dma source(%dma_start3A_329 : memref<1000000x128xf32, #tpu.memory_space<hbm>>) target(%dma_start3A_325 : memref<128x128xf32, #tpu.memory_space<vmem>>) offsets(%dma_start3A_326 : memref<128xi32, #tpu.memory_space<vmem>>) semaphore(%arg9 : memref<!tpu.dma_semaphore, #tpu.memory_space<semaphore_mem>>)
      } else {
      }
      %dma_wait3A_234 = arith.constant 3 : i32
      %dma_wait3A_235 = arith.constant 0 : i32
      %dma_wait3A_236 = arith.constant 0 : i32
      %dma_wait3A_237 = tpu.memref_slice %arg6[%dma_wait3A_234, %dma_wait3A_235, %dma_wait3A_236] : memref<5x128x128xf32, #tpu.memory_space<vmem>> -> memref<1x128x128xf32, #tpu.memory_space<vmem>>
      %dma_wait3A_238 = tpu.memref_squeeze %dma_wait3A_237 : memref<1x128x128xf32, #tpu.memory_space<vmem>> -> memref<128x128xf32, #tpu.memory_space<vmem>>
      %dma_wait3A_239 = arith.constant 0 : i32
      %dma_wait3A_240 = arith.constant 0 : i32
      %dma_wait3A_241 = tpu.memref_slice %arg4[%dma_wait3A_239, %dma_wait3A_240] : memref<819200x128xf32, #tpu.memory_space<hbm>> -> memref<128x128xf32, #tpu.memory_space<hbm>>
      %dma_wait3A_242 = arith.constant 0 : i32
      %dma_wait3A_243 = arith.constant 0 : i32
      %dma_wait3A_244 = tpu.memref_slice %arg6[%dma_wait3A_234, %dma_wait3A_242, %dma_wait3A_243] : memref<5x128x128xf32, #tpu.memory_space<vmem>> -> memref<1x128x128xf32, #tpu.memory_space<vmem>>
      %dma_wait3A_245 = tpu.memref_squeeze %dma_wait3A_244 : memref<1x128x128xf32, #tpu.memory_space<vmem>> -> memref<128x128xf32, #tpu.memory_space<vmem>>
      %dma_wait3A_246 = arith.constant 0 : i32
      %dma_wait3A_247 = arith.constant 0 : i32
      %dma_wait3A_248 = tpu.memref_slice %arg4[%dma_wait3A_246, %dma_wait3A_247] : memref<819200x128xf32, #tpu.memory_space<hbm>> -> memref<128x128xf32, #tpu.memory_space<hbm>>
      tpu.wait_dma2 semaphore(%arg10 : memref<!tpu.dma_semaphore, #tpu.memory_space<semaphore_mem>>) src(%dma_wait3A_248 : memref<128x128xf32, #tpu.memory_space<hbm>>) dst(%dma_wait3A_245 : memref<128x128xf32, #tpu.memory_space<vmem>>)
      %mul3A_249 = arith.constant 128 : i32
      %mul3A_250 = arith.muli %add3A_219, %mul3A_249 : i32
      %add3A_251 = arith.addi %mul3A_2, %mul3A_250 : i32
      %dma_start3A_252 = arith.constant 3 : i32
      %dma_start3A_253 = arith.constant 0 : i32
      %dma_start3A_254 = arith.constant 0 : i32
      %dma_start3A_255 = tpu.memref_slice %arg6[%dma_start3A_252, %dma_start3A_253, %dma_start3A_254] : memref<5x128x128xf32, #tpu.memory_space<vmem>> -> memref<1x128x128xf32, #tpu.memory_space<vmem>>
      %dma_start3A_256 = tpu.memref_squeeze %dma_start3A_255 : memref<1x128x128xf32, #tpu.memory_space<vmem>> -> memref<128x128xf32, #tpu.memory_space<vmem>>
      %dma_start3A_257 = arith.constant 0 : i32
      %dma_start3A_258 = tpu.memref_slice %arg4[%add3A_251, %dma_start3A_257] : memref<819200x128xf32, #tpu.memory_space<hbm>> -> memref<128x128xf32, #tpu.memory_space<hbm>>
      %dma_start3A_259 = arith.constant 0 : i32
      %dma_start3A_260 = tpu.memref_slice %arg4[%add3A_251, %dma_start3A_259] : memref<819200x128xf32, #tpu.memory_space<hbm>> -> memref<128x128xf32, #tpu.memory_space<hbm>>
      %dma_start3A_261 = arith.constant 0 : i32
      %dma_start3A_262 = arith.constant 0 : i32
      %dma_start3A_263 = tpu.memref_slice %arg6[%dma_start3A_252, %dma_start3A_261, %dma_start3A_262] : memref<5x128x128xf32, #tpu.memory_space<vmem>> -> memref<1x128x128xf32, #tpu.memory_space<vmem>>
      %dma_start3A_264 = tpu.memref_squeeze %dma_start3A_263 : memref<1x128x128xf32, #tpu.memory_space<vmem>> -> memref<128x128xf32, #tpu.memory_space<vmem>>
      tpu.enqueue_dma source(%dma_start3A_264 : memref<128x128xf32, #tpu.memory_space<vmem>>) target(%dma_start3A_260 : memref<128x128xf32, #tpu.memory_space<hbm>>) target_semaphore(%arg15 : memref<!tpu.dma_semaphore, #tpu.memory_space<semaphore_mem>>)
      %mul3A_265 = arith.constant 5 : i32
      %mul3A_266 = arith.muli %scan3A_73, %mul3A_265 : i32
      %add3A_267 = arith.constant 4 : i32
      %add3A_268 = arith.addi %mul3A_266, %add3A_267 : i32
      %add3A_269 = arith.constant 5 : i32
      %add3A_270 = arith.addi %add3A_268, %add3A_269 : i32
      %sub3A_271 = arith.constant 1 : i32
      %sub3A_272 = arith.subi %add3A_270, %sub3A_271 : i32
      %ge3A_273 = arith.constant 1 : i32
      %ge3A_274 = arith.cmpi sge, %add3A_268, %ge3A_273 : i32
      %convert_element_type3A_275 = arith.extui %ge3A_274 : i1 to i32
      %cond3A_276 = arith.constant 0 : i32
      %cond3A_277 = arith.cmpi ne, %convert_element_type3A_275, %cond3A_276 : i32
      scf.if %cond3A_277 {
        %dma_wait3A_314 = arith.constant 3 : i32
        %dma_wait3A_315 = arith.constant 0 : i32
        %dma_wait3A_316 = arith.constant 0 : i32
        %dma_wait3A_317 = tpu.memref_slice %arg6[%dma_wait3A_314, %dma_wait3A_315, %dma_wait3A_316] : memref<5x128x128xf32, #tpu.memory_space<vmem>> -> memref<1x128x128xf32, #tpu.memory_space<vmem>>
        %dma_wait3A_318 = tpu.memref_squeeze %dma_wait3A_317 : memref<1x128x128xf32, #tpu.memory_space<vmem>> -> memref<128x128xf32, #tpu.memory_space<vmem>>
        %dma_wait3A_319 = arith.constant 0 : i32
        %dma_wait3A_320 = arith.constant 0 : i32
        %dma_wait3A_321 = tpu.memref_slice %arg4[%dma_wait3A_319, %dma_wait3A_320] : memref<819200x128xf32, #tpu.memory_space<hbm>> -> memref<128x128xf32, #tpu.memory_space<hbm>>
        %dma_wait3A_322 = arith.constant 0 : i32
        %dma_wait3A_323 = arith.constant 0 : i32
        %dma_wait3A_324 = tpu.memref_slice %arg6[%dma_wait3A_314, %dma_wait3A_322, %dma_wait3A_323] : memref<5x128x128xf32, #tpu.memory_space<vmem>> -> memref<1x128x128xf32, #tpu.memory_space<vmem>>
        %dma_wait3A_325 = tpu.memref_squeeze %dma_wait3A_324 : memref<1x128x128xf32, #tpu.memory_space<vmem>> -> memref<128x128xf32, #tpu.memory_space<vmem>>
        %dma_wait3A_326 = arith.constant 0 : i32
        %dma_wait3A_327 = arith.constant 0 : i32
        %dma_wait3A_328 = tpu.memref_slice %arg4[%dma_wait3A_326, %dma_wait3A_327] : memref<819200x128xf32, #tpu.memory_space<hbm>> -> memref<128x128xf32, #tpu.memory_space<hbm>>
        tpu.wait_dma2 semaphore(%arg15 : memref<!tpu.dma_semaphore, #tpu.memory_space<semaphore_mem>>) src(%dma_wait3A_328 : memref<128x128xf32, #tpu.memory_space<hbm>>) dst(%dma_wait3A_325 : memref<128x128xf32, #tpu.memory_space<vmem>>)
      } else {
      }
      %lt3A_278 = arith.constant 200 : i32
      %lt3A_279 = arith.cmpi slt, %sub3A_272, %lt3A_278 : i32
      %convert_element_type3A_280 = arith.extui %lt3A_279 : i1 to i32
      %cond3A_281 = arith.constant 0 : i32
      %cond3A_282 = arith.cmpi ne, %convert_element_type3A_280, %cond3A_281 : i32
      scf.if %cond3A_282 {
        %mul3A_314 = arith.constant 128 : i32
        %mul3A_315 = arith.muli %sub3A_272, %mul3A_314 : i32
        %add3A_316 = arith.constant 0 : i32
        %add3A_317 = arith.addi %mul3A_315, %add3A_316 : i32
        %dma_start3A_318 = arith.constant 3 : i32
        %dma_start3A_319 = arith.constant 0 : i32
        %dma_start3A_320 = arith.constant 0 : i32
        %dma_start3A_321 = tpu.memref_slice %arg6[%dma_start3A_318, %dma_start3A_319, %dma_start3A_320] : memref<5x128x128xf32, #tpu.memory_space<vmem>> -> memref<1x128x128xf32, #tpu.memory_space<vmem>>
        %dma_start3A_322 = tpu.memref_squeeze %dma_start3A_321 : memref<1x128x128xf32, #tpu.memory_space<vmem>> -> memref<128x128xf32, #tpu.memory_space<vmem>>
        %dma_start3A_323 = arith.constant 0 : i32
        %dma_start3A_324 = arith.constant 0 : i32
        %dma_start3A_325 = tpu.memref_slice %dma_start3A_322[%dma_start3A_323, %dma_start3A_324] : memref<128x128xf32, #tpu.memory_space<vmem>> -> memref<128x128xf32, #tpu.memory_space<vmem>>
        %dma_start3A_326 = tpu.memref_slice %arg5[%add3A_317] : memref<25600xi32, #tpu.memory_space<vmem>> -> memref<128xi32, #tpu.memory_space<vmem>>
        %dma_start3A_327 = arith.constant 0 : i32
        %dma_start3A_328 = arith.constant 0 : i32
        %dma_start3A_329 = tpu.memref_slice %arg3[%dma_start3A_327, %dma_start3A_328] : memref<1000000x128xf32, #tpu.memory_space<hbm>> -> memref<1000000x128xf32, #tpu.memory_space<hbm>>
        tpu.enqueue_indirect_dma source(%dma_start3A_329 : memref<1000000x128xf32, #tpu.memory_space<hbm>>) target(%dma_start3A_325 : memref<128x128xf32, #tpu.memory_space<vmem>>) offsets(%dma_start3A_326 : memref<128xi32, #tpu.memory_space<vmem>>) semaphore(%arg10 : memref<!tpu.dma_semaphore, #tpu.memory_space<semaphore_mem>>)
      } else {
      }
      %dma_wait3A_283 = arith.constant 4 : i32
      %dma_wait3A_284 = arith.constant 0 : i32
      %dma_wait3A_285 = arith.constant 0 : i32
      %dma_wait3A_286 = tpu.memref_slice %arg6[%dma_wait3A_283, %dma_wait3A_284, %dma_wait3A_285] : memref<5x128x128xf32, #tpu.memory_space<vmem>> -> memref<1x128x128xf32, #tpu.memory_space<vmem>>
      %dma_wait3A_287 = tpu.memref_squeeze %dma_wait3A_286 : memref<1x128x128xf32, #tpu.memory_space<vmem>> -> memref<128x128xf32, #tpu.memory_space<vmem>>
      %dma_wait3A_288 = arith.constant 0 : i32
      %dma_wait3A_289 = arith.constant 0 : i32
      %dma_wait3A_290 = tpu.memref_slice %arg4[%dma_wait3A_288, %dma_wait3A_289] : memref<819200x128xf32, #tpu.memory_space<hbm>> -> memref<128x128xf32, #tpu.memory_space<hbm>>
      %dma_wait3A_291 = arith.constant 0 : i32
      %dma_wait3A_292 = arith.constant 0 : i32
      %dma_wait3A_293 = tpu.memref_slice %arg6[%dma_wait3A_283, %dma_wait3A_291, %dma_wait3A_292] : memref<5x128x128xf32, #tpu.memory_space<vmem>> -> memref<1x128x128xf32, #tpu.memory_space<vmem>>
      %dma_wait3A_294 = tpu.memref_squeeze %dma_wait3A_293 : memref<1x128x128xf32, #tpu.memory_space<vmem>> -> memref<128x128xf32, #tpu.memory_space<vmem>>
      %dma_wait3A_295 = arith.constant 0 : i32
      %dma_wait3A_296 = arith.constant 0 : i32
      %dma_wait3A_297 = tpu.memref_slice %arg4[%dma_wait3A_295, %dma_wait3A_296] : memref<819200x128xf32, #tpu.memory_space<hbm>> -> memref<128x128xf32, #tpu.memory_space<hbm>>
      tpu.wait_dma2 semaphore(%arg11 : memref<!tpu.dma_semaphore, #tpu.memory_space<semaphore_mem>>) src(%dma_wait3A_297 : memref<128x128xf32, #tpu.memory_space<hbm>>) dst(%dma_wait3A_294 : memref<128x128xf32, #tpu.memory_space<vmem>>)
      %mul3A_298 = arith.constant 128 : i32
      %mul3A_299 = arith.muli %add3A_268, %mul3A_298 : i32
      %add3A_300 = arith.addi %mul3A_2, %mul3A_299 : i32
      %dma_start3A_301 = arith.constant 4 : i32
      %dma_start3A_302 = arith.constant 0 : i32
      %dma_start3A_303 = arith.constant 0 : i32
      %dma_start3A_304 = tpu.memref_slice %arg6[%dma_start3A_301, %dma_start3A_302, %dma_start3A_303] : memref<5x128x128xf32, #tpu.memory_space<vmem>> -> memref<1x128x128xf32, #tpu.memory_space<vmem>>
      %dma_start3A_305 = tpu.memref_squeeze %dma_start3A_304 : memref<1x128x128xf32, #tpu.memory_space<vmem>> -> memref<128x128xf32, #tpu.memory_space<vmem>>
      %dma_start3A_306 = arith.constant 0 : i32
      %dma_start3A_307 = tpu.memref_slice %arg4[%add3A_300, %dma_start3A_306] : memref<819200x128xf32, #tpu.memory_space<hbm>> -> memref<128x128xf32, #tpu.memory_space<hbm>>
      %dma_start3A_308 = arith.constant 0 : i32
      %dma_start3A_309 = tpu.memref_slice %arg4[%add3A_300, %dma_start3A_308] : memref<819200x128xf32, #tpu.memory_space<hbm>> -> memref<128x128xf32, #tpu.memory_space<hbm>>
      %dma_start3A_310 = arith.constant 0 : i32
      %dma_start3A_311 = arith.constant 0 : i32
      %dma_start3A_312 = tpu.memref_slice %arg6[%dma_start3A_301, %dma_start3A_310, %dma_start3A_311] : memref<5x128x128xf32, #tpu.memory_space<vmem>> -> memref<1x128x128xf32, #tpu.memory_space<vmem>>
      %dma_start3A_313 = tpu.memref_squeeze %dma_start3A_312 : memref<1x128x128xf32, #tpu.memory_space<vmem>> -> memref<128x128xf32, #tpu.memory_space<vmem>>
      tpu.enqueue_dma source(%dma_start3A_313 : memref<128x128xf32, #tpu.memory_space<vmem>>) target(%dma_start3A_309 : memref<128x128xf32, #tpu.memory_space<hbm>>) target_semaphore(%arg16 : memref<!tpu.dma_semaphore, #tpu.memory_space<semaphore_mem>>)
    }
    %scan3A_58 = arith.constant 40 : i32
    %dma_wait3A = arith.constant 4 : i32
    %dma_wait3A_59 = arith.constant 0 : i32
    %dma_wait3A_60 = arith.constant 0 : i32
    %dma_wait3A_61 = tpu.memref_slice %arg6[%dma_wait3A, %dma_wait3A_59, %dma_wait3A_60] : memref<5x128x128xf32, #tpu.memory_space<vmem>> -> memref<1x128x128xf32, #tpu.memory_space<vmem>>
    %dma_wait3A_62 = tpu.memref_squeeze %dma_wait3A_61 : memref<1x128x128xf32, #tpu.memory_space<vmem>> -> memref<128x128xf32, #tpu.memory_space<vmem>>
    %dma_wait3A_63 = arith.constant 0 : i32
    %dma_wait3A_64 = arith.constant 0 : i32
    %dma_wait3A_65 = tpu.memref_slice %arg4[%dma_wait3A_63, %dma_wait3A_64] : memref<819200x128xf32, #tpu.memory_space<hbm>> -> memref<128x128xf32, #tpu.memory_space<hbm>>
    %dma_wait3A_66 = arith.constant 0 : i32
    %dma_wait3A_67 = arith.constant 0 : i32
    %dma_wait3A_68 = tpu.memref_slice %arg6[%dma_wait3A, %dma_wait3A_66, %dma_wait3A_67] : memref<5x128x128xf32, #tpu.memory_space<vmem>> -> memref<1x128x128xf32, #tpu.memory_space<vmem>>
    %dma_wait3A_69 = tpu.memref_squeeze %dma_wait3A_68 : memref<1x128x128xf32, #tpu.memory_space<vmem>> -> memref<128x128xf32, #tpu.memory_space<vmem>>
    %dma_wait3A_70 = arith.constant 0 : i32
    %dma_wait3A_71 = arith.constant 0 : i32
    %dma_wait3A_72 = tpu.memref_slice %arg4[%dma_wait3A_70, %dma_wait3A_71] : memref<819200x128xf32, #tpu.memory_space<hbm>> -> memref<128x128xf32, #tpu.memory_space<hbm>>
    tpu.wait_dma2 semaphore(%arg16 : memref<!tpu.dma_semaphore, #tpu.memory_space<semaphore_mem>>) src(%dma_wait3A_72 : memref<128x128xf32, #tpu.memory_space<hbm>>) dst(%dma_wait3A_69 : memref<128x128xf32, #tpu.memory_space<vmem>>)
    return
  }
}

</mosaic_0001>

<sc_bundles>
// kernel: _embed_sc.3.cloned.1.call-start
scs
__scs_entry_jumppad:
0x0: {  	(pc) =	sbr.rel $0x88, $3  }
0x1: {  	(tag) =	ssettag $0x0;
	lr =	simm.s32 $0x1  }
0x2: {  	[smem:$0x3F9F] =	sst lr;
	_ =	strace $0xD0000000  }
0x3: {  	_ = 	snop  }
0x4: {  	_ = 	snop  }
0x5: {  	_ = 	snop  }
0x6: {  	_ = 	snop  }
0x7: {  	_ = 	snop  }
__scs_overlays_trampoline_lowered:
0x8: {  	[smem:$0x3FAE] =	sst s0  }
0x9: {  	[smem:$0x3FAF] =	sst s1  }
0xa: {  	[smem:$0x3FB0] =	sst s2  }
0xb: {  	[smem:$0x3FB1] =	sst s3  }
0xc: {  	[smem:$0x3FB2] =	sst s4  }
0xd: {  	[smem:$0x3FB3] =	sst s5  }
0xe: {  	[smem:$0x3FB4] =	sst s6  }
0xf: {  	[smem:$0x3FB5] =	sst s7  }
0x10: {  	[smem:$0x3FB6] =	sst s8  }
0x11: {  	[smem:$0x3FB7] =	sst s9;
	s0 =	simm.s32 @!p0 $0x0  }
0x12: {  	s1 =	sld [smem:$0x3F9D];
	s0 =	simm.s32 @p0 $0x1  }
0x13: {  	[smem:$0x3FB8] =	sst s0;
	s0 =	simm.s32 @!p1 $0x0  }
0x14: {  	s2 =	sld [smem:$0x3F9C];
	s0 =	simm.s32 @p1 $0x1  }
0x15: {  	[smem:$0x3FB9] =	sst s0;
	s0 =	simm.s32 @!p2 $0x0  }
0x16: {  	s3 =	sld [smem:$0x3FDB];
	s0 =	simm.s32 @p2 $0x1  }
0x17: {  	s4 =	simm.s32 $0x1BF5;
	[smem:$0x3FBB] =	sst s0  }
0x18: {  	s0 =	sld [smem:$0x3F9E];
	_ =	swait.ge [sflag:s4], $0x0  }
0x19: {  	s7 =	sld [smem:$0x3F9F]  }
0x1a: {  	s8 =	sadd.s32 $0xFFFFE003, lr  }
0x1b: {  	s9 =	sadd.s32 $0xFFFFFEF7, lr;
	s5 =	simm.s32 $0xFFFFFFFF;
	p2 =	slt.u32 s8, $0xFFFFF086  }
0x1c: {  	p1 =	slt.u32 s9, $0xF7A;
	s5 =	simm.s32 @!p2 $0x0  }
0x1d: {  	s5 =	simm.s32 @p1 $0x1;
	p0 =	seq.s32 s7, s2  }
0x1e: {  	s7 =	smul.u32 @!p0 $0xF7A, s2;
	p2 =	seq.s32 @!p0 s5, $0x0  }
0x1f: {  	s9 =	smul.u32 $0xF7A, s1;
	s8 =	simm.s32 @!p0 $0x1BF5;
	p2 =	por !p2, p0  }
0x20: {  	[sflag:s8] =	ssyncset.s32 @!p0 $0xFFFFF086;
	s6 =	sadd.s32 @!p0 s3, s7;
	s7 =	simm.s32 @!p0 $0x108  }
0x21: {  	s3 =	sadd.s32 s3, s9;
	s6 =	sadd.s32 @!p0 $0x88, s6;
	s7 =	simm.s32 @p2 $0x1082  }
0x22: {  	[simem:s7], [sflag:s8] =	dma.local @!p0 [hbm:s6], $0xF7A  }
0x23: {  	s9 =	sor.u32 $0xD0000000, s2;
	s6 =	simm.s32 $0x108;
	_ =	swait.ge @!p0 [sflag:s8], $0x0  }
0x24: {  	s3 =	sadd.s32 $0x88, s3;
	s6 =	simm.s32 @!p1 $0x1082;
	[sflag:s4] =	ssyncset.s32 $0xFFFFF086  }
0x25: {  	[simem:s6], [sflag:s4] =	dma.local [hbm:s3], $0xF7A  }
0x26: {  	[smem:$0x3F9F] =	sst s1;
	(tag) =	ssettag s2;
	_ =	strace s9  }
0x27: {  	s1 =	sld [smem:$0x3FAF]  }
0x28: {  	s2 =	sld [smem:$0x3FB0]  }
0x29: {  	s4 =	sld [smem:$0x3FB2]  }
0x2a: {  	p0 =	seq.s32 s5, $0x0;
	s5 =	sld [smem:$0x3FB3]  }
0x2b: {  	s6 =	sld [smem:$0x3FB4]  }
0x2c: {  	s7 =	sld [smem:$0x3FB5]  }
0x2d: {  	s3 =	simm.s32 $0x108;
	s8 =	sld [smem:$0x3FB6]  }
0x2e: {  	s3 =	simm.s32 @!p0 $0x1082;
	s9 =	sld [smem:$0x3FB7]  }
0x2f: {  	lr =	sadd.s32 s0, s3;
	s0 =	sld [smem:$0x3FAE]  }
0x30: {  	s3 =	sld [smem:$0x3FB1]  }
0x31: {  	[smem:$0x3FBA] =	sst s10  }
0x32: {  	s10 =	sld [smem:$0x3FB8];
	_ =	sdelay $0x3  }
0x33: {  	p0 =	seq.s32 s10, $0x1;
	s10 =	sld [smem:$0x3FBA];
	_ =	sdelay $0x3  }
0x34: {  	[smem:$0x3FBA] =	sst s10  }
0x35: {  	s10 =	sld [smem:$0x3FB9];
	_ =	sdelay $0x3  }
0x36: {  	p1 =	seq.s32 s10, $0x1;
	s10 =	sld [smem:$0x3FBA];
	_ =	sdelay $0x3  }
0x37: {  	[smem:$0x3FBA] =	sst s10  }
0x38: {  	s10 =	sld [smem:$0x3FBB]  }
0x39: {  	_ = 	snop;
	(pc) =	sbr.ind lr, $3  }
0x3a: {  	_ = 	snop  }
0x3b: {  	_ = 	snop  }
0x3c: {  	p2 =	seq.s32 s10, $0x1;
	s10 =	sld [smem:$0x3FBA]  }
0x3d: {  	_ =	shalt  }
0x3e: {  	_ =	shalt  }
0x3f: {  	_ =	shalt  }
0x40: {  	_ =	shalt  }
0x41: {  	_ =	shalt  }
0x42: {  	_ =	shalt  }
0x43: {  	_ =	shalt  }
0x44: {  	_ =	shalt  }
0x45: {  	_ =	shalt  }
0x46: {  	_ =	shalt  }
0x47: {  	_ =	shalt  }
0x48: {  	_ =	shalt  }
0x49: {  	_ =	shalt  }
0x4a: {  	_ =	shalt  }
0x4b: {  	_ =	shalt  }
0x4c: {  	_ =	shalt  }
0x4d: {  	_ =	shalt  }
0x4e: {  	_ =	shalt  }
0x4f: {  	_ =	shalt  }
0x50: {  	_ =	shalt  }
0x51: {  	_ =	shalt  }
0x52: {  	_ =	shalt  }
0x53: {  	_ =	shalt  }
0x54: {  	_ =	shalt  }
0x55: {  	_ =	shalt  }
0x56: {  	_ =	shalt  }
0x57: {  	_ =	shalt  }
0x58: {  	_ =	shalt  }
0x59: {  	_ =	shalt  }
0x5a: {  	_ =	shalt  }
0x5b: {  	_ =	shalt  }
0x5c: {  	_ =	shalt  }
0x5d: {  	_ =	shalt  }
0x5e: {  	_ =	shalt  }
0x5f: {  	_ =	shalt  }
0x60: {  	_ =	shalt  }
0x61: {  	_ =	shalt  }
0x62: {  	_ =	shalt  }
0x63: {  	_ =	shalt  }
0x64: {  	_ =	shalt  }
0x65: {  	_ =	shalt  }
0x66: {  	_ =	shalt  }
0x67: {  	_ =	shalt  }
0x68: {  	_ =	shalt  }
0x69: {  	_ =	shalt  }
0x6a: {  	_ =	shalt  }
0x6b: {  	_ =	shalt  }
0x6c: {  	_ =	shalt  }
0x6d: {  	_ =	shalt  }
0x6e: {  	_ =	shalt  }
0x6f: {  	_ =	shalt  }
0x70: {  	_ =	shalt  }
0x71: {  	_ =	shalt  }
0x72: {  	_ =	shalt  }
0x73: {  	_ =	shalt  }
0x74: {  	_ =	shalt  }
0x75: {  	_ =	shalt  }
0x76: {  	_ =	shalt  }
0x77: {  	_ =	shalt  }
0x78: {  	_ =	shalt  }
0x79: {  	_ =	shalt  }
0x7a: {  	_ =	shalt  }
0x7b: {  	_ =	shalt  }
0x7c: {  	_ =	shalt  }
0x7d: {  	_ =	shalt  }
0x7e: {  	_ =	shalt  }
0x7f: {  	_ =	shalt  }
0x80: {  	_ =	shalt  }
0x81: {  	_ =	shalt  }
0x82: {  	_ =	shalt  }
0x83: {  	_ =	shalt  }
0x84: {  	_ =	shalt  }
0x85: {  	_ =	shalt  }
0x86: {  	_ =	shalt  }
0x87: {  	_ =	shalt  }
.Lfunc_end0:
.L_simem_size_0:
called_computation_lowered:
.L_overlay_start_0:
0x88: {  	s2 =	sld [smem:$0x3FD9]  }
0x89: {  	s3 =	sld [smem:$0x3FFE];
	_ =	sdelay $0x1  }
0x8a: {  	s1 =	srdreg.scid  }
0x8b: {  	s0 =	sand.u32 $0x1, s1  }
0x8c: {  	s18 =	sshll.u32 s0, $0xA;
	s2 =	sadd.s32 s3, s2  }
0x8d: {  	s2 =	sadd.s32 s2, s18  }
0x8e: {  	[smem:$0x3FC6] =	sst s2  }
0x8f: {  	_ = 	snop  }
0x90: {  	s2 =	sld [smem:$0x3FC9]  }
0x91: {  	s19 =	sld [smem:$0x3FC8]  }
0x92: {  	s4 =	sld [smem:$0x3FD0];
	(tm) =	ssettm $0x1  }
0x93: {  	s5 =	sld [smem:$0x3FFB];
	_ =	sdelay $0x3  }
0x94: {  	_ =	strace s5  }
0x95: {  	s5 =	sld [smem:$0x3FFC];
	_ =	sdelay $0x3  }
0x96: {  	_ =	strace s5  }
0x97: {  	s5 =	sld [smem:$0x3FFD];
	_ =	sdelay $0x3  }
0x98: {  	_ =	strace s5  }
0x99: {  	_ =	strace $0x8FFFFFFF  }
0x9a: {  	s20 =	sld [smem:$0x3FDB];
	_ =	sdelay $0x1  }
0x9b: {  	s6 =	simm.s32 $_scs_section_size  }
0x9c: {  	s7 =	simm.s32 $_size__tile_overlayer_lowered;
	s8 =	simm.s32 $_tile_overlayer_lowered  }
0x9d: {  	s23 =	simm.s32 $0x1BFF;
	s22 =	sshll.u32 s8, $0x1;
	s5 =	sadd.s32 s6, s20  }
0x9e: {  	s9 =	simm.s32 $0x0;
	s21 =	sshll.u32 s7, $0x1;
	s7 =	sadd.s32 s22, s5  }
0x9f: {  	[timem:s9], [sflag:s23] =	dma.local [hbm:s7], s21  }
0xa0: {  	_ =	swait.ge [sflag:s23], s21  }
0xa1: {  	s6 =	ssub.s32 $0x0, s21;
	[sflag:s23] =	ssyncset.done $0x0  }
0xa2: {  	[sflag:s23] =	ssyncadd.s32 s6;
	_ =	sdelay $0x1  }
0xa3: {  	s24 =	simm.s32 $0x1B8B  }
0xa4: {  	_ =	swait.ge [sflag:s24], $0x1  }
0xa5: {  	[sflag:s24] =	ssyncset.done $0x0  }
0xa6: {  	s25 =	simm.s32 $0x1B8E;
	[sflag:s24] =	ssyncadd.s32 $0xFFFFFFFF  }
0xa7: {  	s26 =	simm.s32 $execute0_lowered;
	[smem:$0x3FD2] =	sst s25  }
0xa8: {  	s6 =	sshll.u32 s26, $0x1;
	_ =	strace $0x80000046;
	[dreg:$0x1] =	wrdreg $0xFFFFFFFF  }
0xa9: {  	s28 =	simm.s32 $_size_execute0_lowered;
	s5 =	sadd.s32 s5, s6;
	[dreg:$0x0] =	wrdreg $0x0  }
0xaa: {  	s6 =	sshll.u32 s28, $0x1;
	[dreg:$0x2] =	wrdreg s5  }
0xab: {  	[dreg:$0x3] =	wrdreg s6  }
0xac: {  	[dreg:$0x4] =	wrdreg $0xC0  }
0xad: {  	_ =	task [dreg:s9], $0x5FFFF  }
0xae: {  	[dreg:$0x1] =	wrdreg $0xFFFFFFFF  }
0xaf: {  	[dreg:$0x0] =	wrdreg $0x60  }
0xb0: {  	[dreg:$0x2] =	wrdreg s2  }
0xb1: {  	[dreg:$0x3] =	wrdreg s19  }
0xb2: {  	[dreg:$0x4] =	wrdreg s4  }
0xb3: {  	[dreg:$0x5] =	wrdreg $0x9  }
0xb4: {  	_ =	task.clear_ibuf [dreg:s9], $0x6FFFF;
	_ =	strace $0x90000046  }
0xb5: {  	s29 =	simm.s32 $0x9;
	_ =	strace $0x80000048  }
0xb6: {  	_ =	swait.ge [sflag:s29], $0x1  }
0xb7: {  	[sflag:s29] =	ssyncadd.s32 $0xFFFFFFFF  }
0xb8: {  	_ =	strace $0x90000048  }
0xb9: {  	_ =	sfence  }
0xba: {  	s30 =	sld [smem:$0x0];
	_ =	sdelay $0x2  }
0xbb: {  	s31 =	sshll.u32 s1, $0xD;
	s1 =	sshrl.u32 s1, $0x2  }
0xbc: {  	s3 =	sand.u32 $0x4000, s31;
	s1 =	sadd.s32 s1, s30  }
0xbd: {  	s0 =	sor.u32 s3, s0;
	s1 =	sshll.u32 s1, $0x11  }
0xbe: {  	s0 =	sor.u32 s1, s0  }
0xbf: {  	s0 =	sadd.s32 $0x8F2B, s0  }
0xc0: {  	[sflag:s0] =	ssyncadd.remote.s32 $0x1  }
0xc1: {  	_ =	sfence.sel $0xFFFF  }
0xc2: {  	[dreg:$0x0] =	wrdreg $0xFFFFFFFF;
	(pc) =	sbr.abs _section_cstart, $3  }
0xc3: {  	[dreg:$0x1] =	wrdreg $0xFFFFFFFF  }
0xc4: {  	_ =	task.clear_ibuf [dreg:s9], $0x2FFFF;
	_ =	strace $0x9FFFFFFF  }
0xc5: {  	(tm) =	ssettm $0x7FFFFFFF  }
tec
execute0_lowered:
.L_overlay_start_1:
0x0: {  	(tag) =	ssettag $0x1  }
0x1: {  	s1 =	rddreg [dreg:$0x0]  }
0x2: {  	s0 =	srdreg.scid;
	s2 =	rddreg [dreg:$0x1]  }
0x3: {  	s9 =	stileid.u32;
	s4 =	rddreg [dreg:$0x2]  }
0x4: {  	s11 =	simm.s32 $0x80;
	s12 =	simm.s32 $0x6400;
	s13 =	simm.s32 $0xA400  }
0x5: {  	s15 =	simm.s32 $0xE400;
	s17 =	simm.s32 $0x12400;
	s18 =	simm.s32 $0x16400  }
0x6: {  	s19 =	simm.s32 $0x1;
	s20 =	simm.s32 $0x6;
	s6 =	smul.u32 $0xC8000, s9  }
0x7: {  	s0 =	sand.u32 $0x1, s0;
	s3 =	sshll.u32 s9, $0x1;
	s9 =	smul.u32 $0x640000, s9  }
0x8: {  	s21 =	simm.s32 $0x2;
	s22 =	simm.s32 $0x7;
	s7 =	smul.u32 $0x64000, s0  }
0x9: {  	s3 =	sor.u32 s0, s3;
	s8 =	ssub.s32 $0x2, s0;
	s0 =	smul.u32 $0x320000, s0  }
0xa: {  	s28 =	simm.s32 $0x5;
	s30 =	simm.s32 $0x0;
	s5 =	smul.u32 $0x6400, s3  }
0xb: {  	s3 =	simm.s32 $0x0;
	s10 =	sshrl.u32 s8, $0x1;
	s23 =	sadd.s32 s6, s4  }
0xc: {  	[smem:$0x7FF] =	sst s3;
	s8 =	ssub.s32 s8, s10;
	s0 =	sadd.s32 s0, s9  }
0xd: {  	_ =	strace $0x80000047;
	s5 =	sshrl.u32 s5, $0x3;
	s24 =	smax.u32 s8, $0x1  }
0xe: {  	s25 =	sor.u32 $0x10000, s0;
	s26 =	sor.u32 $0xC000, s0;
	s0 =	sor.u32 $0x8000, s0  }
0xf: {  	s1 =	sadd.s32 s1, s5;
	[dreg:$0x5] =	wrdreg s24;
	s29 =	sshrl.u32 s26, $0x3  }
0x10: {  	s0 =	sshrl.u32 s0, $0x3;
	s24 =	simm.s32 $0x8;
	[dreg:$0x4] =	wrdreg s1  }
0x11: {  	s1 =	sadd.s32 s7, s23;
	s31 =	sadd.s32 s29, s4;
	s0 =	sadd.s32 s0, s4  }
0x12: {  	s6 =	sadd.s32 $0x800, s1;
	s1 =	sshrl.u32 s25, $0x3;
	[dreg:$0x7] =	wrdreg s31  }
0x13: {  	s26 =	simm.s32 $0x9;
	[dreg:$0x8] =	wrdreg s0;
	s1 =	sadd.s32 s1, s4  }
0x14: {  	s23 =	simm.s32 $0x3;
	s25 =	simm.s32 $0x4;
	[dreg:$0x6] =	wrdreg s1  }
.LBB2_1:
0x15: {  	s0 =	rddreg [dreg:$0x4];
	s9 =	simm.s32 $0xB  }
0x16: {  	[tilespmem:s3], [sflag:$0xB] =	stream.linear.gather [hbm4b:s0+s3], $0x6400, $0x38;
	[tilespmem:$0x1A400] =	vst v63  }
0x17: {  	_ =	swait.ge [sflag:s9], $0x6400  }
0x18: {  	[sflag:s9] =	ssyncset.done $0x0  }
0x19: {  	[sflag:s9] =	ssyncadd.s32 $0xFFFF9C00  }
0x1a: {  	[tilespmem:s12], [sflag:$0x1] =	stream.indirect.gather [hbm4b:s2+s11], $0x80, s3, s11, $0xb8;
	[tilespmem:$0x1A400] =	vst v63  }
0x1b: {  	_ = 	snop  }
0x1c: {  	[tilespmem:s13], [sflag:$0x2] =	stream.indirect.gather [hbm4b:s2+s11], $0x80, s11, s11, $0xb8;
	[tilespmem:$0x1A400] =	vst v63  }
0x1d: {  	s10 =	simm.s32 $0x100;
	p0 =	por $0x1, $0x1  }
0x1e: {  	[tilespmem:s15], [sflag:$0x3] =	stream.indirect.gather [hbm4b:s2+s11], $0x80, s10, s11, $0xb8;
	[tilespmem:$0x1A400] =	vst v63  }
0x1f: {  	s14 =	simm.s32 $0x180;
	s0 =	simm.s32 @!p0 $0xA  }
0x20: {  	[tilespmem:s17], [sflag:$0x4] =	stream.indirect.gather [hbm4b:s2+s11], $0x80, s14, s11, $0xb8;
	[tilespmem:$0x1A400] =	vst v63  }
0x21: {  	_ =	swait.ge @!p0 [sflag:s0], $0x4000  }
0x22: {  	[sflag:s0] =	ssyncset.done @!p0 $0x0  }
0x23: {  	s16 =	simm.s32 $0x200;
	[sflag:s0] =	ssyncadd.s32 @!p0 $0xFFFFC000  }
0x24: {  	[tilespmem:s18], [sflag:$0x5] =	stream.indirect.gather [hbm4b:s2+s11], $0x80, s16, s11, $0xb8;
	[tilespmem:$0x1A400] =	vst v63  }
0x25: {  	_ =	swait.ge [sflag:s19], $0x4000  }
0x26: {  	[sflag:s19] =	ssyncset.done $0x0  }
0x27: {  	s29 =	sadd.s32 $0xFFFFF800, s6;
	[sflag:s19] =	ssyncadd.s32 $0xFFFFC000  }
0x28: {  	[hbm4b:s29+s3] =	stream.linear.scatter [tilespmem:s12], [sflag:$0x6], $0x4000, $0x38;
	[tilespmem:$0x1A400] =	vst v63  }
0x29: {  	p0 =	por $0x0, $0x0;
	_ =	swait.ge [sflag:s20], $0x4000  }
0x2a: {  	s0 =	simm.s32 @!p0 $0x6400;
	[sflag:s20] =	ssyncset.done $0x0  }
0x2b: {  	s1 =	simm.s32 @!p0 $0x280;
	s7 =	simm.s32 @!p0 $0x80;
	[sflag:s20] =	ssyncadd.s32 $0xFFFFC000  }
0x2c: {  	[tilespmem:s0], [sflag:$0x1] =	stream.indirect.gather @!p0 [hbm4b:s2+s7], $0x80, s1, s7, $0xb8;
	[tilespmem:$0x1A400] =	vst v63  }
0x2d: {  	_ =	swait.ge [sflag:s21], $0x4000  }
0x2e: {  	[sflag:s21] =	ssyncset.done $0x0  }
0x2f: {  	[sflag:s21] =	ssyncadd.s32 $0xFFFFC000  }
0x30: {  	[hbm4b:s6+s3] =	stream.linear.scatter [tilespmem:s13], [sflag:$0x7], $0x4000, $0x38;
	[tilespmem:$0x1A400] =	vst v63  }
0x31: {  	_ =	swait.ge [sflag:s22], $0x4000  }
0x32: {  	[sflag:s22] =	ssyncset.done $0x0  }
0x33: {  	s0 =	simm.s32 @!p0 $0x300;
	s1 =	simm.s32 @!p0 $0xA400;
	[sflag:s22] =	ssyncadd.s32 $0xFFFFC000  }
0x34: {  	[tilespmem:s1], [sflag:$0x2] =	stream.indirect.gather @!p0 [hbm4b:s2+s7], $0x80, s0, s7, $0xb8;
	[tilespmem:$0x1A400] =	vst v63  }
0x35: {  	_ =	swait.ge [sflag:s23], $0x4000  }
0x36: {  	[sflag:s23] =	ssyncset.done $0x0  }
0x37: {  	s8 =	rddreg [dreg:$0x8];
	[sflag:s23] =	ssyncadd.s32 $0xFFFFC000  }
0x38: {  	[hbm4b:s8+s3] =	stream.linear.scatter [tilespmem:s15], [sflag:$0x8], $0x4000, $0x38;
	[tilespmem:$0x1A400] =	vst v63  }
0x39: {  	_ =	swait.ge [sflag:s24], $0x4000  }
0x3a: {  	[sflag:s24] =	ssyncset.done $0x0  }
0x3b: {  	s0 =	simm.s32 @!p0 $0x380;
	s1 =	simm.s32 @!p0 $0xE400;
	[sflag:s24] =	ssyncadd.s32 $0xFFFFC000  }
0x3c: {  	[tilespmem:s1], [sflag:$0x3] =	stream.indirect.gather @!p0 [hbm4b:s2+s7], $0x80, s0, s7, $0xb8;
	[tilespmem:$0x1A400] =	vst v63  }
0x3d: {  	_ =	swait.ge [sflag:s25], $0x4000  }
0x3e: {  	[sflag:s25] =	ssyncset.done $0x0  }
0x3f: {  	s5 =	rddreg [dreg:$0x7];
	[sflag:s25] =	ssyncadd.s32 $0xFFFFC000  }
0x40: {  	[hbm4b:s5+s3] =	stream.linear.scatter [tilespmem:s17], [sflag:$0x9], $0x4000, $0x38;
	[tilespmem:$0x1A400] =	vst v63  }
0x41: {  	_ =	swait.ge [sflag:s26], $0x4000  }
0x42: {  	s4 =	simm.s32 $0x1400;
	[sflag:s26] =	ssyncset.done $0x0  }
0x43: {  	s14 =	simm.s32 @!p0 $0x12400;
	s1 =	simm.s32 @!p0 $0x400;
	[sflag:s26] =	ssyncadd.s32 $0xFFFFC000  }
0x44: {  	[tilespmem:s14], [sflag:$0x4] =	stream.indirect.gather @!p0 [hbm4b:s2+s7], $0x80, s1, s7, $0xb8;
	[tilespmem:$0x1A400] =	vst v63  }
0x45: {  	p1 =	por $0x0, $0x0;
	s16 =	simm.s32 $0xA00;
	_ =	swait.ge [sflag:s28], $0x4000  }
0x46: {  	s0 =	sadd.s32 $0x2800, s8;
	s1 =	sadd.s32 $0x2800, s5;
	s7 =	rddreg [dreg:$0x6]  }
0x47: {  	s14 =	sadd.s32 $0x2800, s6;
	[sflag:s28] =	ssyncset.done $0x0;
	s31 =	sadd.s32 $0x2800, s7  }
.LBB2_2:
0x48: {  	s10 =	simm.s32 @!p1 $0xA  }
0x49: {  	[sflag:s28] =	ssyncadd.s32 $0xFFFFC000;
	s29 =	smov.u32 s4;
	s4 =	sadd.s32 $0xA00, s4  }
0x4a: {  	[hbm4b:s7+s3] =	stream.linear.scatter [tilespmem:s18], [sflag:$0xA], $0x4000, $0x38;
	[tilespmem:$0x1A400] =	vst v63  }
0x4b: {  	p0 =	sne.s32 s4, $0x19000;
	s7 =	smov.u32 s31;
	_ =	swait.ge @!p1 [sflag:s10], $0x4000  }
0x4c: {  	s8 =	sshra.s32 s16, $0x2;
	[sflag:s10] =	ssyncset.done @!p1 $0x0  }
0x4d: {  	s8 =	sadd.s32 $0x200, s8;
	[sflag:s10] =	ssyncadd.s32 @!p1 $0xFFFFC000  }
0x4e: {  	[tilespmem:s18], [sflag:$0x5] =	stream.indirect.gather [hbm4b:s2+s11], $0x80, s8, s11, $0xb8;
	[tilespmem:$0x1A400] =	vst v63  }
0x4f: {  	_ =	swait.ge [sflag:s19], $0x4000  }
0x50: {  	[sflag:s19] =	ssyncset.done $0x0  }
0x51: {  	s8 =	sadd.s32 $0xFFFFF800, s14;
	[sflag:s19] =	ssyncadd.s32 $0xFFFFC000  }
0x52: {  	[hbm4b:s8+s3] =	stream.linear.scatter [tilespmem:s12], [sflag:$0x6], $0x4000, $0x38;
	[tilespmem:$0x1A400] =	vst v63  }
0x53: {  	p1 =	seq.s32 s16, $0x18600;
	_ =	swait.ge [sflag:s20], $0x4000  }
0x54: {  	s10 =	simm.s32 @!p1 $0x6400;
	s8 =	sshra.s32 @!p1 s16, $0x2;
	[sflag:s20] =	ssyncset.done $0x0  }
0x55: {  	s5 =	simm.s32 @!p1 $0x80;
	s16 =	sadd.s32 @!p1 $0x280, s8;
	[sflag:s20] =	ssyncadd.s32 $0xFFFFC000  }
0x56: {  	[tilespmem:s10], [sflag:$0x1] =	stream.indirect.gather @!p1 [hbm4b:s2+s5], $0x80, s16, s5, $0xb8;
	[tilespmem:$0x1A400] =	vst v63  }
0x57: {  	s9 =	sadd.s32 @!p1 $0x380, s8;
	s10 =	sadd.s32 @!p1 $0x300, s8;
	_ =	swait.ge [sflag:s21], $0x4000  }
0x58: {  	s8 =	sadd.s32 @!p1 $0x400, s8;
	s16 =	smov.u32 s29;
	[sflag:s21] =	ssyncset.done $0x0  }
0x59: {  	[sflag:s21] =	ssyncadd.s32 $0xFFFFC000  }
0x5a: {  	[hbm4b:s14+s3] =	stream.linear.scatter [tilespmem:s13], [sflag:$0x7], $0x4000, $0x38;
	[tilespmem:$0x1A400] =	vst v63  }
0x5b: {  	_ =	swait.ge [sflag:s22], $0x4000  }
0x5c: {  	[sflag:s22] =	ssyncset.done $0x0  }
0x5d: {  	s29 =	simm.s32 @!p1 $0xA400;
	[sflag:s22] =	ssyncadd.s32 $0xFFFFC000  }
0x5e: {  	[tilespmem:s29], [sflag:$0x2] =	stream.indirect.gather @!p1 [hbm4b:s2+s5], $0x80, s10, s5, $0xb8;
	[tilespmem:$0x1A400] =	vst v63  }
0x5f: {  	_ =	swait.ge [sflag:s23], $0x4000  }
0x60: {  	[sflag:s23] =	ssyncset.done $0x0  }
0x61: {  	[sflag:s23] =	ssyncadd.s32 $0xFFFFC000  }
0x62: {  	[hbm4b:s0+s3] =	stream.linear.scatter [tilespmem:s15], [sflag:$0x8], $0x4000, $0x38;
	[tilespmem:$0x1A400] =	vst v63  }
0x63: {  	_ =	swait.ge [sflag:s24], $0x4000  }
0x64: {  	[sflag:s24] =	ssyncset.done $0x0  }
0x65: {  	s10 =	simm.s32 @!p1 $0xE400;
	[sflag:s24] =	ssyncadd.s32 $0xFFFFC000  }
0x66: {  	[tilespmem:s10], [sflag:$0x3] =	stream.indirect.gather @!p1 [hbm4b:s2+s5], $0x80, s9, s5, $0xb8;
	[tilespmem:$0x1A400] =	vst v63  }
0x67: {  	_ =	swait.ge [sflag:s25], $0x4000  }
0x68: {  	[sflag:s25] =	ssyncset.done $0x0  }
0x69: {  	[sflag:s25] =	ssyncadd.s32 $0xFFFFC000  }
0x6a: {  	[hbm4b:s1+s3] =	stream.linear.scatter [tilespmem:s17], [sflag:$0x9], $0x4000, $0x38;
	[tilespmem:$0x1A400] =	vst v63  }
0x6b: {  	_ =	swait.ge [sflag:s26], $0x4000  }
.Ltmp0:
0x6c: {  	[sflag:s26] =	ssyncset.done $0x0;
	(pc) =	sbr.rel @p0 .LBB2_2-.Ltmp0, $4  }
0x6d: {  	s0 =	sadd.s32 $0x2800, s0;
	s9 =	simm.s32 @!p1 $0x12400;
	[sflag:s26] =	ssyncadd.s32 $0xFFFFC000  }
0x6e: {  	[tilespmem:s9], [sflag:$0x4] =	stream.indirect.gather @!p1 [hbm4b:s2+s5], $0x80, s8, s5, $0xb8;
	[tilespmem:$0x1A400] =	vst v63  }
0x6f: {  	s31 =	sadd.s32 $0x2800, s31;
	s1 =	sadd.s32 $0x2800, s1;
	_ =	swait.ge [sflag:s28], $0x4000  }
0x70: {  	s14 =	sadd.s32 $0x2800, s14;
	p1 =	seq.s32 s16, $0x0;
	[sflag:s28] =	ssyncset.done $0x0  }
0x71: {  	s4 =	simm.s32 @!p1 $0xA;
	[sflag:s28] =	ssyncadd.s32 $0xFFFFC000  }
0x72: {  	[hbm4b:s7+s3] =	stream.linear.scatter [tilespmem:s18], [sflag:$0xA], $0x4000, $0x38;
	[tilespmem:$0x1A400] =	vst v63  }
0x73: {  	_ =	swait.ge @!p1 [sflag:s4], $0x4000  }
0x74: {  	s5 =	sshra.s32 s16, $0x2;
	[sflag:s4] =	ssyncset.done @!p1 $0x0  }
0x75: {  	s9 =	sadd.s32 $0x200, s5;
	[sflag:s4] =	ssyncadd.s32 @!p1 $0xFFFFC000  }
0x76: {  	[tilespmem:s18], [sflag:$0x5] =	stream.indirect.gather [hbm4b:s2+s11], $0x80, s9, s11, $0xb8;
	[tilespmem:$0x1A400] =	vst v63  }
0x77: {  	_ =	swait.ge [sflag:s19], $0x4000  }
0x78: {  	[sflag:s19] =	ssyncset.done $0x0  }
0x79: {  	s10 =	sadd.s32 $0xFFFFF800, s14;
	[sflag:s19] =	ssyncadd.s32 $0xFFFFC000  }
0x7a: {  	[hbm4b:s10+s3] =	stream.linear.scatter [tilespmem:s12], [sflag:$0x6], $0x4000, $0x38;
	[tilespmem:$0x1A400] =	vst v63  }
0x7b: {  	p0 =	seq.s32 s16, $0x18600;
	_ =	swait.ge [sflag:s20], $0x4000  }
0x7c: {  	s5 =	simm.s32 @!p0 $0x6400;
	s4 =	sshra.s32 @!p0 s16, $0x2;
	[sflag:s20] =	ssyncset.done $0x0  }
0x7d: {  	s8 =	simm.s32 @!p0 $0x80;
	s7 =	sadd.s32 @!p0 $0x280, s4;
	[sflag:s20] =	ssyncadd.s32 $0xFFFFC000  }
0x7e: {  	[tilespmem:s5], [sflag:$0x1] =	stream.indirect.gather @!p0 [hbm4b:s2+s8], $0x80, s7, s8, $0xb8;
	[tilespmem:$0x1A400] =	vst v63  }
0x7f: {  	_ =	swait.ge [sflag:s21], $0x4000  }
0x80: {  	[sflag:s21] =	ssyncset.done $0x0  }
0x81: {  	[sflag:s21] =	ssyncadd.s32 $0xFFFFC000  }
0x82: {  	[hbm4b:s14+s3] =	stream.linear.scatter [tilespmem:s13], [sflag:$0x7], $0x4000, $0x38;
	[tilespmem:$0x1A400] =	vst v63  }
0x83: {  	_ =	swait.ge [sflag:s22], $0x4000  }
0x84: {  	[sflag:s22] =	ssyncset.done $0x0  }
0x85: {  	s5 =	sadd.s32 @!p0 $0x300, s4;
	s7 =	simm.s32 @!p0 $0xA400;
	[sflag:s22] =	ssyncadd.s32 $0xFFFFC000  }
0x86: {  	[tilespmem:s7], [sflag:$0x2] =	stream.indirect.gather @!p0 [hbm4b:s2+s8], $0x80, s5, s8, $0xb8;
	[tilespmem:$0x1A400] =	vst v63  }
0x87: {  	_ =	swait.ge [sflag:s23], $0x4000  }
0x88: {  	[sflag:s23] =	ssyncset.done $0x0  }
0x89: {  	[sflag:s23] =	ssyncadd.s32 $0xFFFFC000  }
0x8a: {  	[hbm4b:s0+s3] =	stream.linear.scatter [tilespmem:s15], [sflag:$0x8], $0x4000, $0x38;
	[tilespmem:$0x1A400] =	vst v63  }
0x8b: {  	_ =	swait.ge [sflag:s24], $0x4000  }
0x8c: {  	[sflag:s24] =	ssyncset.done $0x0  }
0x8d: {  	s5 =	simm.s32 @!p0 $0xE400;
	s0 =	sadd.s32 @!p0 $0x380, s4;
	[sflag:s24] =	ssyncadd.s32 $0xFFFFC000  }
0x8e: {  	[tilespmem:s5], [sflag:$0x3] =	stream.indirect.gather @!p0 [hbm4b:s2+s8], $0x80, s0, s8, $0xb8;
	[tilespmem:$0x1A400] =	vst v63  }
0x8f: {  	_ =	swait.ge [sflag:s25], $0x4000  }
0x90: {  	[sflag:s25] =	ssyncset.done $0x0  }
0x91: {  	[sflag:s25] =	ssyncadd.s32 $0xFFFFC000  }
0x92: {  	[hbm4b:s1+s3] =	stream.linear.scatter [tilespmem:s17], [sflag:$0x9], $0x4000, $0x38;
	[tilespmem:$0x1A400] =	vst v63  }
0x93: {  	_ =	swait.ge [sflag:s26], $0x4000  }
0x94: {  	[sflag:s26] =	ssyncset.done $0x0  }
0x95: {  	s0 =	sadd.s32 @!p0 $0x400, s4;
	s1 =	simm.s32 @!p0 $0x12400;
	[sflag:s26] =	ssyncadd.s32 $0xFFFFC000  }
0x96: {  	[tilespmem:s1], [sflag:$0x4] =	stream.indirect.gather @!p0 [hbm4b:s2+s8], $0x80, s0, s8, $0xb8;
	[tilespmem:$0x1A400] =	vst v63  }
0x97: {  	_ =	swait.ge [sflag:s28], $0x4000  }
0x98: {  	[sflag:s28] =	ssyncset.done $0x0  }
0x99: {  	s29 =	simm.s32 $0xA;
	[sflag:s28] =	ssyncadd.s32 $0xFFFFC000  }
0x9a: {  	[hbm4b:s31+s3] =	stream.linear.scatter [tilespmem:s18], [sflag:$0xA], $0x4000, $0x38;
	[tilespmem:$0x1A400] =	vst v63  }
0x9b: {  	_ =	swait.ge [sflag:s29], $0x4000  }
0x9c: {  	s30 =	sadd.s32 $0x1, s30;
	s31 =	rddreg [dreg:$0x5]  }
0x9d: {  	p0 =	sne.s32 s30, s31  }
.Ltmp1:
0x9e: {  	_ = 	snop;
	(pc) =	sbr.rel @p0 .LBB2_1-.Ltmp1, $3  }
0x9f: {  	_ =	sdelay $0x1  }
0xa0: {  	[sflag:s29] =	ssyncset.done $0x0  }
0xa1: {  	[sflag:s29] =	ssyncadd.s32 $0xFFFFC000  }
0xa2: {  	_ =	sfence.sel $0x180000  }
0xa3: {  	[bflag:$0x0] =	sbarrier.arrive $0xFFFF  }
0xa4: {  	_ =	strace $0x90000047  }
0xa5: {  	s0 =	stileid.u32;
	[bflag:$0x2] =	sbarrier.arrive $0xFFFF  }
0xa6: {  	p0 =	sne.s32 s0, $0x0;
	s0 =	rddreg [dreg:$0x3]  }
0xa7: {  	s0 =	sadd.s32 @!p0 $0x100000, s0  }
0xa8: {  	[sflag:s0] =	ssyncadd.tile.s32 @!p0 $0x1;
	_ =	shalt  }
.Lfunc_end2:
_tile_overlayer_lowered:
.L_overlay_start_2:
0xa9: {  	(tag) =	ssettag $0x2  }
0xaa: {  	s0 =	rddreg [dreg:$0x0];
	s2 =	stileid.u32  }
0xab: {  	s1 =	rddreg [dreg:$0x1];
	p0 =	sne.s32 s2, $0x0  }
0xac: {  	s3 =	rddreg [dreg:$0x2];
	[bflag:$0x3] =	sbarrier.arrive $0xFFFF;
	s2 =	simm.s32 @!p0 $0x1C0B  }
0xad: {  	[timem:s3], [sflag:s2] =	dma.local @!p0 [hbm:s0], s1  }
0xae: {  	s0 =	simm.s32 @!p0 $0xB  }
0xaf: {  	_ =	swait.ge @!p0 [sflag:s0], s1  }
0xb0: {  	s1 =	ssub.s32 @!p0 $0x0, s1;
	[sflag:s0] =	ssyncset.done @!p0 $0x0  }
0xb1: {  	[sflag:s0] =	ssyncadd.s32 @!p0 s1  }
0xb2: {  	[bflag:$0x3] =	sbarrier.arrive $0xFFFF  }
0xb3: {  	_ =	shalt  }

</sc_bundles>
